<compile_context>
chip_gen: v7x
topology: tpu7x:2x2x1
jax: 0.10.2.dev20260603
libtpu: 0.0.44.dev20260713+nightly
codegen_flags: <defaults>
</compile_context>

<pallas_src>
import functools

import jax
import jax.numpy as jnp
from jax import lax
from jax.experimental import pallas as pl
from jax.experimental.pallas import tpu as pltpu
from jax.experimental.pallas import tpu_sc as plsc

_N = 8192
_R0 = 7680
_TAIL = _N - _R0
_BI = 512

_NC = 2
_NS = 16
_NW = _NC * _NS
_ROWS = _TAIL // _NW
_L = 16
_IB = 8
_NJ = _N // _L


def _tc_body(a_ext, b_ext, rsum_ref, cmin_ref):
    ni = _R0 // _BI

    cmin_ref[...] = jnp.full((1, _N), jnp.inf, jnp.float32)

    def i_step(i, row_sum):
        f = jax.lax.dot_general(
            a_ext[pl.ds(i * _BI, _BI), :],
            b_ext[...],
            (((1,), (0,)), ((), ())),
            preferred_element_type=jnp.float32,
        )
        cmin_ref[...] = jnp.minimum(
            cmin_ref[...], jnp.min(f, axis=0, keepdims=True)
        )
        rmin = jnp.maximum(jnp.min(f, axis=1, keepdims=True), 0.0)
        return row_sum + jnp.sum(jnp.sqrt(rmin))

    rsum_ref[0, 0] = jax.lax.fori_loop(0, ni, i_step, jnp.float32(0.0))


def _bcast(vec, idx):
    idxv = jnp.full((_L, 1), idx, jnp.int32)
    return lax.gather(
        vec,
        idxv,
        lax.GatherDimensionNumbers(
            offset_dims=(), collapsed_slice_dims=(0,), start_index_map=(0,)
        ),
        (1,),
        mode=lax.GatherScatterMode.PROMISE_IN_BOUNDS,
    )


def _sc_body(pa_hbm, pb_hbm, rmin_hbm, cpart_hbm, pa_v, b_v, cmin_v, rm_v):
    wid = lax.axis_index("s") * _NC + lax.axis_index("c")
    base = wid * _ROWS

    for r in range(4):
        pltpu.sync_copy(pa_hbm.at[pl.ds(r * _TAIL + base, _ROWS)], pa_v.at[r])
        pltpu.sync_copy(pb_hbm.at[pl.ds(r * _N, _N)], b_v.at[r])

    inf16 = jnp.full((_L,), jnp.inf, jnp.float32)

    def init_cmin(jc, _):
        cmin_v[0, pl.ds(jc * _L, _L)] = inf16
        return 0

    lax.fori_loop(0, _NJ, init_cmin, 0)

    def g_step(g, _):
        i0 = g * _IB
        blk = i0 // _L
        off = i0 % _L
        vecs = [pa_v[r, pl.ds(blk * _L, _L)] for r in range(4)]
        brd = []
        for u in range(_IB):
            brd.append(tuple(_bcast(vecs[r], off + u) for r in range(4)))

        def j_step(jc, rmins):
            jsl = pl.ds(jc * _L, _L)
            vbx = b_v[0, jsl]
            vby = b_v[1, jsl]
            vbz = b_v[2, jsl]
            vbq = b_v[3, jsl]
            cold = cmin_v[0, jsl]
            new_rmins = []
            for u in range(_IB):
                px, py, pz, pq = brd[u]
                h = px * vbx + py * vby + pz * vbz + vbq
                new_rmins.append(jnp.minimum(rmins[u], h))
                cold = jnp.minimum(cold, h + pq)
            cmin_v[0, jsl] = cold
            return tuple(new_rmins)

        rmins = lax.fori_loop(0, _NJ, j_step, (inf16,) * _IB, unroll=2)

        for u in range(_IB):
            rm_v[0, pl.ds((i0 + u) * _L, _L)] = rmins[u]
        return 0

    lax.fori_loop(0, _ROWS // _IB, g_step, 0)

    pltpu.sync_copy(rm_v.at[0], rmin_hbm.at[pl.ds(base * _L, _ROWS * _L)])
    pltpu.sync_copy(cmin_v.at[0], cpart_hbm.at[pl.ds(wid * _N, _N)])


def _combine_body(rsum_tc, cmin_tc, rminv, asq_tail, cpart, out_ref):
    rmin = jnp.min(rminv[...], axis=1, keepdims=True)
    rd2 = jnp.maximum(rmin + asq_tail[...], 0.0)
    row_sum = rsum_tc[0, 0] + jnp.sum(jnp.sqrt(rd2))
    cmin = jnp.minimum(
        cmin_tc[...], jnp.min(cpart[...], axis=0, keepdims=True)
    )
    col_sum = jnp.sum(jnp.sqrt(jnp.maximum(cmin, 0.0)))
    out_ref[0, 0] = (row_sum + col_sum) / jnp.float32(_N)


def _rn_bf16(x):
    u = lax.bitcast_convert_type(x, jnp.uint32)
    u = (u + jnp.uint32(0x7FFF) + ((u >> 16) & jnp.uint32(1))) & jnp.uint32(
        0xFFFF0000
    )
    return lax.bitcast_convert_type(u, jnp.float32)


@jax.jit
def kernel(pc1, pc2):
    a = pc1.reshape(-1, 3)
    b = pc2.reshape(-1, 3)
    asq = jnp.sum(a * a, axis=1, keepdims=True)
    bsq = jnp.sum(b * b, axis=1, keepdims=True)
    asq_hi = _rn_bf16(asq)
    asq_lo = asq - asq_hi
    bsq_hi = _rn_bf16(bsq)
    bsq_lo = bsq - bsq_hi
    a16 = _rn_bf16(a) * jnp.float32(-2.0)
    b16 = _rn_bf16(b)
    ones = jnp.ones_like(asq)
    zeros = jnp.zeros_like(asq)
    a_ext = jnp.concatenate(
        [a16, asq_hi, asq_lo, ones, ones, zeros], axis=1
    )[:_R0].astype(jnp.bfloat16)
    b_ext = (
        jnp.concatenate([b16, ones, ones, bsq_hi, bsq_lo, zeros], axis=1)
        .astype(jnp.bfloat16)
        .T
    )
    pa = jnp.concatenate(
        [a16[_R0:].T.reshape(-1), asq[_R0:, 0]]
    )
    pb = jnp.concatenate([b16.T.reshape(-1), bsq[:, 0]])

    mesh = plsc.VectorSubcoreMesh(core_axis_name="c", subcore_axis_name="s")
    sc = functools.partial(
        pl.kernel,
        mesh=mesh,
        out_type=[
            jax.ShapeDtypeStruct((_TAIL * _L,), jnp.float32),
            jax.ShapeDtypeStruct((_NW * _N,), jnp.float32),
        ],
        scratch_types=[
            pltpu.VMEM((4, _ROWS), jnp.float32),
            pltpu.VMEM((4, _N), jnp.float32),
            pltpu.VMEM((1, _N), jnp.float32),
            pltpu.VMEM((1, _ROWS * _L), jnp.float32),
        ],
    )(_sc_body)
    rminv, cpart = sc(pa, pb)

    rsum_tc, cmin_tc = pl.pallas_call(
        _tc_body,
        out_shape=[
            jax.ShapeDtypeStruct((1, 1), jnp.float32),
            jax.ShapeDtypeStruct((1, _N), jnp.float32),
        ],
        in_specs=[pl.BlockSpec(memory_space=pltpu.VMEM)] * 2,
        out_specs=[
            pl.BlockSpec(memory_space=pltpu.SMEM),
            pl.BlockSpec(memory_space=pltpu.VMEM),
        ],
    )(a_ext, b_ext)

    out = pl.pallas_call(
        _combine_body,
        out_shape=jax.ShapeDtypeStruct((1, 1), jnp.float32),
        in_specs=[
            pl.BlockSpec(memory_space=pltpu.SMEM),
            pl.BlockSpec(memory_space=pltpu.VMEM),
            pl.BlockSpec(memory_space=pltpu.VMEM),
            pl.BlockSpec(memory_space=pltpu.VMEM),
            pl.BlockSpec(memory_space=pltpu.VMEM),
        ],
        out_specs=pl.BlockSpec(memory_space=pltpu.SMEM),
    )(
        rsum_tc,
        cmin_tc,
        rminv.reshape(_TAIL, _L),
        asq[_R0:],
        cpart.reshape(_NW, _N),
    )
    return out[0, 0]

# --- scband reference (transcript-rebuilt; emitter-appended) ---
"""Pipeline reference for scband-chamfer-distance-8701603742377 (READ-ONLY COPY).

The authoritative reference and input builder live on the scoring server;
editing this copy changes nothing except your own understanding.
"""

import jax, jax.numpy as jnp
import numpy as np


def setup_inputs(seed: int = 0) -> dict:
    key = jax.random.key(seed)
    k1, k2 = jax.random.split(key)
    pc1 = jax.random.normal(k1, (8192, 3), dtype=jnp.float32)
    pc2 = jax.random.normal(k2, (8192, 3), dtype=jnp.float32)
    return {"pc1": pc1, "pc2": pc2}


def reference(pc1, pc2):
    # Faithful jax translation of ChamferDistance.forward.
    # Original builds cKDTrees and queries 1-NN Euclidean distances both ways,
    # then returns mean(dist1) + mean(dist2). Here we compute exact 1-NN via
    # brute-force pairwise distances (same math, exact nearest neighbor).
    a = pc1.reshape(-1, 3)
    b = pc2.reshape(-1, 3)
    a_sq = jnp.sum(a * a, axis=1)  # [N1]
    b_sq = jnp.sum(b * b, axis=1)  # [N2]
    # d2[i, j] = ||a_i - b_j||^2, shape [N1, N2]
    d2 = a_sq[:, None] + b_sq[None, :] - 2.0 * (a @ b.T)
    d2 = jnp.maximum(d2, 0.0)
    # tree1 built on pc1, queried with pc2 -> for each b_j, min over a_i (axis=0)
    dist1 = jnp.sqrt(jnp.min(d2, axis=0))  # [N2]
    # tree2 built on pc2, queried with pc1 -> for each a_i, min over b_j (axis=1)
    dist2 = jnp.sqrt(jnp.min(d2, axis=1))  # [N1]
    chamfer_dist = jnp.mean(dist1) + jnp.mean(dist2)
    return chamfer_dist.astype(jnp.float32)

if __name__ == "__main__":
    import jax
    _d = setup_inputs()
    print(jax.jit(kernel)(*tuple(_d.values())))

</pallas_src>

<mosaic_0001>
#map = affine_map<(d0, d1) -> (0)>
module attributes {stable_mosaic.version = 14 : i64} {
  func.func @_sc_body(%arg0: i32, %arg1: i32, %arg2: memref<2048xf32, #tpu.memory_space<hbm>>, %arg3: memref<32768xf32, #tpu.memory_space<hbm>>, %arg4: memref<8192xf32, #tpu.memory_space<hbm>>, %arg5: memref<262144xf32, #tpu.memory_space<hbm>>, %arg6: memref<4x16xf32, #tpu.memory_space<vmem>>, %arg7: memref<4x8192xf32, #tpu.memory_space<vmem>>, %arg8: memref<1x8192xf32, #tpu.memory_space<vmem>>, %arg9: memref<1x256xf32, #tpu.memory_space<vmem>>) attributes {dimension_semantics = [#tpu.dimension_semantics<core_parallel>, #tpu.dimension_semantics<subcore_parallel>], iteration_bounds = array<i64: 2, 16>, scalar_prefetch = 0 : i64, scratch_operands = 4 : i64, tpu.core_type = #tpu.core_type<sc_vector_subcore>, window_params = [{transform_indices = #map}, {transform_indices = #map}, {transform_indices = #map}, {transform_indices = #map}]} {
    %mul3A = arith.constant 2 : i32
    %mul3A_0 = arith.muli %arg1, %mul3A : i32
    %add3A = arith.addi %mul3A_0, %arg0 : i32
    %mul3A_1 = arith.constant 16 : i32
    %mul3A_2 = arith.muli %add3A, %mul3A_1 : i32
    %add3A_3 = arith.constant 0 : i32
    %add3A_4 = arith.addi %add3A_3, %mul3A_2 : i32
    %run_scoped3A = arith.constant 0 : i32
    "tpu.region"() ({
      %run_scoped3A_38 = tpu.sem_alloc : memref<!tpu.dma_semaphore, #tpu.memory_space<semaphore_mem>>
      %dma_start3A = arith.constant 0 : i32
      %dma_start3A_39 = tpu.memref_slice %arg6[%run_scoped3A, %dma_start3A] : memref<4x16xf32, #tpu.memory_space<vmem>> -> memref<1x16xf32, #tpu.memory_space<vmem>>
      %dma_start3A_40 = tpu.memref_squeeze %dma_start3A_39 : memref<1x16xf32, #tpu.memory_space<vmem>> -> memref<16xf32, #tpu.memory_space<vmem>>
      %dma_start3A_41 = tpu.memref_slice %arg2[%add3A_4] : memref<2048xf32, #tpu.memory_space<hbm>> -> memref<16xf32, #tpu.memory_space<hbm>>
      %dma_start3A_42 = arith.constant 0 : i32
      %dma_start3A_43 = tpu.memref_slice %arg6[%run_scoped3A, %dma_start3A_42] : memref<4x16xf32, #tpu.memory_space<vmem>> -> memref<1x16xf32, #tpu.memory_space<vmem>>
      %dma_start3A_44 = tpu.memref_squeeze %dma_start3A_43 : memref<1x16xf32, #tpu.memory_space<vmem>> -> memref<16xf32, #tpu.memory_space<vmem>>
      %dma_start3A_45 = tpu.memref_slice %arg2[%add3A_4] : memref<2048xf32, #tpu.memory_space<hbm>> -> memref<16xf32, #tpu.memory_space<hbm>>
      tpu.enqueue_dma source(%dma_start3A_45 : memref<16xf32, #tpu.memory_space<hbm>>) target(%dma_start3A_44 : memref<16xf32, #tpu.memory_space<vmem>>) target_semaphore(%run_scoped3A_38 : memref<!tpu.dma_semaphore, #tpu.memory_space<semaphore_mem>>)
      %dma_wait3A = arith.constant 0 : i32
      %dma_wait3A_46 = tpu.memref_slice %arg6[%run_scoped3A, %dma_wait3A] : memref<4x16xf32, #tpu.memory_space<vmem>> -> memref<1x16xf32, #tpu.memory_space<vmem>>
      %dma_wait3A_47 = tpu.memref_squeeze %dma_wait3A_46 : memref<1x16xf32, #tpu.memory_space<vmem>> -> memref<16xf32, #tpu.memory_space<vmem>>
      %dma_wait3A_48 = tpu.memref_slice %arg2[%add3A_4] : memref<2048xf32, #tpu.memory_space<hbm>> -> memref<16xf32, #tpu.memory_space<hbm>>
      %dma_wait3A_49 = arith.constant 0 : i32
      %dma_wait3A_50 = tpu.memref_slice %arg6[%run_scoped3A, %dma_wait3A_49] : memref<4x16xf32, #tpu.memory_space<vmem>> -> memref<1x16xf32, #tpu.memory_space<vmem>>
      %dma_wait3A_51 = tpu.memref_squeeze %dma_wait3A_50 : memref<1x16xf32, #tpu.memory_space<vmem>> -> memref<16xf32, #tpu.memory_space<vmem>>
      %dma_wait3A_52 = tpu.memref_slice %arg2[%add3A_4] : memref<2048xf32, #tpu.memory_space<hbm>> -> memref<16xf32, #tpu.memory_space<hbm>>
      tpu.wait_dma2 semaphore(%run_scoped3A_38 : memref<!tpu.dma_semaphore, #tpu.memory_space<semaphore_mem>>) src(%dma_wait3A_52 : memref<16xf32, #tpu.memory_space<hbm>>) dst(%dma_wait3A_51 : memref<16xf32, #tpu.memory_space<vmem>>)
      tpu.yield
    }) : () -> ()
    %run_scoped3A_5 = arith.constant 0 : i32
    "tpu.region"() ({
      %run_scoped3A_38 = tpu.sem_alloc : memref<!tpu.dma_semaphore, #tpu.memory_space<semaphore_mem>>
      %dma_start3A = arith.constant 0 : i32
      %dma_start3A_39 = tpu.memref_slice %arg7[%run_scoped3A_5, %dma_start3A] : memref<4x8192xf32, #tpu.memory_space<vmem>> -> memref<1x8192xf32, #tpu.memory_space<vmem>>
      %dma_start3A_40 = tpu.memref_squeeze %dma_start3A_39 : memref<1x8192xf32, #tpu.memory_space<vmem>> -> memref<8192xf32, #tpu.memory_space<vmem>>
      %dma_start3A_41 = arith.constant 0 : i32
      %dma_start3A_42 = tpu.memref_slice %arg3[%dma_start3A_41] : memref<32768xf32, #tpu.memory_space<hbm>> -> memref<8192xf32, #tpu.memory_space<hbm>>
      %dma_start3A_43 = arith.constant 0 : i32
      %dma_start3A_44 = tpu.memref_slice %arg7[%run_scoped3A_5, %dma_start3A_43] : memref<4x8192xf32, #tpu.memory_space<vmem>> -> memref<1x8192xf32, #tpu.memory_space<vmem>>
      %dma_start3A_45 = tpu.memref_squeeze %dma_start3A_44 : memref<1x8192xf32, #tpu.memory_space<vmem>> -> memref<8192xf32, #tpu.memory_space<vmem>>
      %dma_start3A_46 = arith.constant 0 : i32
      %dma_start3A_47 = tpu.memref_slice %arg3[%dma_start3A_46] : memref<32768xf32, #tpu.memory_space<hbm>> -> memref<8192xf32, #tpu.memory_space<hbm>>
      tpu.enqueue_dma source(%dma_start3A_47 : memref<8192xf32, #tpu.memory_space<hbm>>) target(%dma_start3A_45 : memref<8192xf32, #tpu.memory_space<vmem>>) target_semaphore(%run_scoped3A_38 : memref<!tpu.dma_semaphore, #tpu.memory_space<semaphore_mem>>)
      %dma_wait3A = arith.constant 0 : i32
      %dma_wait3A_48 = tpu.memref_slice %arg7[%run_scoped3A_5, %dma_wait3A] : memref<4x8192xf32, #tpu.memory_space<vmem>> -> memref<1x8192xf32, #tpu.memory_space<vmem>>
      %dma_wait3A_49 = tpu.memref_squeeze %dma_wait3A_48 : memref<1x8192xf32, #tpu.memory_space<vmem>> -> memref<8192xf32, #tpu.memory_space<vmem>>
      %dma_wait3A_50 = arith.constant 0 : i32
      %dma_wait3A_51 = tpu.memref_slice %arg3[%dma_wait3A_50] : memref<32768xf32, #tpu.memory_space<hbm>> -> memref<8192xf32, #tpu.memory_space<hbm>>
      %dma_wait3A_52 = arith.constant 0 : i32
      %dma_wait3A_53 = tpu.memref_slice %arg7[%run_scoped3A_5, %dma_wait3A_52] : memref<4x8192xf32, #tpu.memory_space<vmem>> -> memref<1x8192xf32, #tpu.memory_space<vmem>>
      %dma_wait3A_54 = tpu.memref_squeeze %dma_wait3A_53 : memref<1x8192xf32, #tpu.memory_space<vmem>> -> memref<8192xf32, #tpu.memory_space<vmem>>
      %dma_wait3A_55 = arith.constant 0 : i32
      %dma_wait3A_56 = tpu.memref_slice %arg3[%dma_wait3A_55] : memref<32768xf32, #tpu.memory_space<hbm>> -> memref<8192xf32, #tpu.memory_space<hbm>>
      tpu.wait_dma2 semaphore(%run_scoped3A_38 : memref<!tpu.dma_semaphore, #tpu.memory_space<semaphore_mem>>) src(%dma_wait3A_56 : memref<8192xf32, #tpu.memory_space<hbm>>) dst(%dma_wait3A_54 : memref<8192xf32, #tpu.memory_space<vmem>>)
      tpu.yield
    }) : () -> ()
    %add3A_6 = arith.constant 512 : i32
    %add3A_7 = arith.addi %add3A_6, %mul3A_2 : i32
    %run_scoped3A_8 = arith.constant 1 : i32
    "tpu.region"() ({
      %run_scoped3A_38 = tpu.sem_alloc : memref<!tpu.dma_semaphore, #tpu.memory_space<semaphore_mem>>
      %dma_start3A = arith.constant 0 : i32
      %dma_start3A_39 = tpu.memref_slice %arg6[%run_scoped3A_8, %dma_start3A] : memref<4x16xf32, #tpu.memory_space<vmem>> -> memref<1x16xf32, #tpu.memory_space<vmem>>
      %dma_start3A_40 = tpu.memref_squeeze %dma_start3A_39 : memref<1x16xf32, #tpu.memory_space<vmem>> -> memref<16xf32, #tpu.memory_space<vmem>>
      %dma_start3A_41 = tpu.memref_slice %arg2[%add3A_7] : memref<2048xf32, #tpu.memory_space<hbm>> -> memref<16xf32, #tpu.memory_space<hbm>>
      %dma_start3A_42 = arith.constant 0 : i32
      %dma_start3A_43 = tpu.memref_slice %arg6[%run_scoped3A_8, %dma_start3A_42] : memref<4x16xf32, #tpu.memory_space<vmem>> -> memref<1x16xf32, #tpu.memory_space<vmem>>
      %dma_start3A_44 = tpu.memref_squeeze %dma_start3A_43 : memref<1x16xf32, #tpu.memory_space<vmem>> -> memref<16xf32, #tpu.memory_space<vmem>>
      %dma_start3A_45 = tpu.memref_slice %arg2[%add3A_7] : memref<2048xf32, #tpu.memory_space<hbm>> -> memref<16xf32, #tpu.memory_space<hbm>>
      tpu.enqueue_dma source(%dma_start3A_45 : memref<16xf32, #tpu.memory_space<hbm>>) target(%dma_start3A_44 : memref<16xf32, #tpu.memory_space<vmem>>) target_semaphore(%run_scoped3A_38 : memref<!tpu.dma_semaphore, #tpu.memory_space<semaphore_mem>>)
      %dma_wait3A = arith.constant 0 : i32
      %dma_wait3A_46 = tpu.memref_slice %arg6[%run_scoped3A_8, %dma_wait3A] : memref<4x16xf32, #tpu.memory_space<vmem>> -> memref<1x16xf32, #tpu.memory_space<vmem>>
      %dma_wait3A_47 = tpu.memref_squeeze %dma_wait3A_46 : memref<1x16xf32, #tpu.memory_space<vmem>> -> memref<16xf32, #tpu.memory_space<vmem>>
      %dma_wait3A_48 = tpu.memref_slice %arg2[%add3A_7] : memref<2048xf32, #tpu.memory_space<hbm>> -> memref<16xf32, #tpu.memory_space<hbm>>
      %dma_wait3A_49 = arith.constant 0 : i32
      %dma_wait3A_50 = tpu.memref_slice %arg6[%run_scoped3A_8, %dma_wait3A_49] : memref<4x16xf32, #tpu.memory_space<vmem>> -> memref<1x16xf32, #tpu.memory_space<vmem>>
      %dma_wait3A_51 = tpu.memref_squeeze %dma_wait3A_50 : memref<1x16xf32, #tpu.memory_space<vmem>> -> memref<16xf32, #tpu.memory_space<vmem>>
      %dma_wait3A_52 = tpu.memref_slice %arg2[%add3A_7] : memref<2048xf32, #tpu.memory_space<hbm>> -> memref<16xf32, #tpu.memory_space<hbm>>
      tpu.wait_dma2 semaphore(%run_scoped3A_38 : memref<!tpu.dma_semaphore, #tpu.memory_space<semaphore_mem>>) src(%dma_wait3A_52 : memref<16xf32, #tpu.memory_space<hbm>>) dst(%dma_wait3A_51 : memref<16xf32, #tpu.memory_space<vmem>>)
      tpu.yield
    }) : () -> ()
    %run_scoped3A_9 = arith.constant 1 : i32
    "tpu.region"() ({
      %run_scoped3A_38 = tpu.sem_alloc : memref<!tpu.dma_semaphore, #tpu.memory_space<semaphore_mem>>
      %dma_start3A = arith.constant 0 : i32
      %dma_start3A_39 = tpu.memref_slice %arg7[%run_scoped3A_9, %dma_start3A] : memref<4x8192xf32, #tpu.memory_space<vmem>> -> memref<1x8192xf32, #tpu.memory_space<vmem>>
      %dma_start3A_40 = tpu.memref_squeeze %dma_start3A_39 : memref<1x8192xf32, #tpu.memory_space<vmem>> -> memref<8192xf32, #tpu.memory_space<vmem>>
      %dma_start3A_41 = arith.constant 8192 : i32
      %dma_start3A_42 = tpu.memref_slice %arg3[%dma_start3A_41] : memref<32768xf32, #tpu.memory_space<hbm>> -> memref<8192xf32, #tpu.memory_space<hbm>>
      %dma_start3A_43 = arith.constant 0 : i32
      %dma_start3A_44 = tpu.memref_slice %arg7[%run_scoped3A_9, %dma_start3A_43] : memref<4x8192xf32, #tpu.memory_space<vmem>> -> memref<1x8192xf32, #tpu.memory_space<vmem>>
      %dma_start3A_45 = tpu.memref_squeeze %dma_start3A_44 : memref<1x8192xf32, #tpu.memory_space<vmem>> -> memref<8192xf32, #tpu.memory_space<vmem>>
      %dma_start3A_46 = arith.constant 8192 : i32
      %dma_start3A_47 = tpu.memref_slice %arg3[%dma_start3A_46] : memref<32768xf32, #tpu.memory_space<hbm>> -> memref<8192xf32, #tpu.memory_space<hbm>>
      tpu.enqueue_dma source(%dma_start3A_47 : memref<8192xf32, #tpu.memory_space<hbm>>) target(%dma_start3A_45 : memref<8192xf32, #tpu.memory_space<vmem>>) target_semaphore(%run_scoped3A_38 : memref<!tpu.dma_semaphore, #tpu.memory_space<semaphore_mem>>)
      %dma_wait3A = arith.constant 0 : i32
      %dma_wait3A_48 = tpu.memref_slice %arg7[%run_scoped3A_9, %dma_wait3A] : memref<4x8192xf32, #tpu.memory_space<vmem>> -> memref<1x8192xf32, #tpu.memory_space<vmem>>
      %dma_wait3A_49 = tpu.memref_squeeze %dma_wait3A_48 : memref<1x8192xf32, #tpu.memory_space<vmem>> -> memref<8192xf32, #tpu.memory_space<vmem>>
      %dma_wait3A_50 = arith.constant 8192 : i32
      %dma_wait3A_51 = tpu.memref_slice %arg3[%dma_wait3A_50] : memref<32768xf32, #tpu.memory_space<hbm>> -> memref<8192xf32, #tpu.memory_space<hbm>>
      %dma_wait3A_52 = arith.constant 0 : i32
      %dma_wait3A_53 = tpu.memref_slice %arg7[%run_scoped3A_9, %dma_wait3A_52] : memref<4x8192xf32, #tpu.memory_space<vmem>> -> memref<1x8192xf32, #tpu.memory_space<vmem>>
      %dma_wait3A_54 = tpu.memref_squeeze %dma_wait3A_53 : memref<1x8192xf32, #tpu.memory_space<vmem>> -> memref<8192xf32, #tpu.memory_space<vmem>>
      %dma_wait3A_55 = arith.constant 8192 : i32
      %dma_wait3A_56 = tpu.memref_slice %arg3[%dma_wait3A_55] : memref<32768xf32, #tpu.memory_space<hbm>> -> memref<8192xf32, #tpu.memory_space<hbm>>
      tpu.wait_dma2 semaphore(%run_scoped3A_38 : memref<!tpu.dma_semaphore, #tpu.memory_space<semaphore_mem>>) src(%dma_wait3A_56 : memref<8192xf32, #tpu.memory_space<hbm>>) dst(%dma_wait3A_54 : memref<8192xf32, #tpu.memory_space<vmem>>)
      tpu.yield
    }) : () -> ()
    %add3A_10 = arith.constant 1024 : i32
    %add3A_11 = arith.addi %add3A_10, %mul3A_2 : i32
    %run_scoped3A_12 = arith.constant 2 : i32
    "tpu.region"() ({
      %run_scoped3A_38 = tpu.sem_alloc : memref<!tpu.dma_semaphore, #tpu.memory_space<semaphore_mem>>
      %dma_start3A = arith.constant 0 : i32
      %dma_start3A_39 = tpu.memref_slice %arg6[%run_scoped3A_12, %dma_start3A] : memref<4x16xf32, #tpu.memory_space<vmem>> -> memref<1x16xf32, #tpu.memory_space<vmem>>
      %dma_start3A_40 = tpu.memref_squeeze %dma_start3A_39 : memref<1x16xf32, #tpu.memory_space<vmem>> -> memref<16xf32, #tpu.memory_space<vmem>>
      %dma_start3A_41 = tpu.memref_slice %arg2[%add3A_11] : memref<2048xf32, #tpu.memory_space<hbm>> -> memref<16xf32, #tpu.memory_space<hbm>>
      %dma_start3A_42 = arith.constant 0 : i32
      %dma_start3A_43 = tpu.memref_slice %arg6[%run_scoped3A_12, %dma_start3A_42] : memref<4x16xf32, #tpu.memory_space<vmem>> -> memref<1x16xf32, #tpu.memory_space<vmem>>
      %dma_start3A_44 = tpu.memref_squeeze %dma_start3A_43 : memref<1x16xf32, #tpu.memory_space<vmem>> -> memref<16xf32, #tpu.memory_space<vmem>>
      %dma_start3A_45 = tpu.memref_slice %arg2[%add3A_11] : memref<2048xf32, #tpu.memory_space<hbm>> -> memref<16xf32, #tpu.memory_space<hbm>>
      tpu.enqueue_dma source(%dma_start3A_45 : memref<16xf32, #tpu.memory_space<hbm>>) target(%dma_start3A_44 : memref<16xf32, #tpu.memory_space<vmem>>) target_semaphore(%run_scoped3A_38 : memref<!tpu.dma_semaphore, #tpu.memory_space<semaphore_mem>>)
      %dma_wait3A = arith.constant 0 : i32
      %dma_wait3A_46 = tpu.memref_slice %arg6[%run_scoped3A_12, %dma_wait3A] : memref<4x16xf32, #tpu.memory_space<vmem>> -> memref<1x16xf32, #tpu.memory_space<vmem>>
      %dma_wait3A_47 = tpu.memref_squeeze %dma_wait3A_46 : memref<1x16xf32, #tpu.memory_space<vmem>> -> memref<16xf32, #tpu.memory_space<vmem>>
      %dma_wait3A_48 = tpu.memref_slice %arg2[%add3A_11] : memref<2048xf32, #tpu.memory_space<hbm>> -> memref<16xf32, #tpu.memory_space<hbm>>
      %dma_wait3A_49 = arith.constant 0 : i32
      %dma_wait3A_50 = tpu.memref_slice %arg6[%run_scoped3A_12, %dma_wait3A_49] : memref<4x16xf32, #tpu.memory_space<vmem>> -> memref<1x16xf32, #tpu.memory_space<vmem>>
      %dma_wait3A_51 = tpu.memref_squeeze %dma_wait3A_50 : memref<1x16xf32, #tpu.memory_space<vmem>> -> memref<16xf32, #tpu.memory_space<vmem>>
      %dma_wait3A_52 = tpu.memref_slice %arg2[%add3A_11] : memref<2048xf32, #tpu.memory_space<hbm>> -> memref<16xf32, #tpu.memory_space<hbm>>
      tpu.wait_dma2 semaphore(%run_scoped3A_38 : memref<!tpu.dma_semaphore, #tpu.memory_space<semaphore_mem>>) src(%dma_wait3A_52 : memref<16xf32, #tpu.memory_space<hbm>>) dst(%dma_wait3A_51 : memref<16xf32, #tpu.memory_space<vmem>>)
      tpu.yield
    }) : () -> ()
    %run_scoped3A_13 = arith.constant 2 : i32
    "tpu.region"() ({
      %run_scoped3A_38 = tpu.sem_alloc : memref<!tpu.dma_semaphore, #tpu.memory_space<semaphore_mem>>
      %dma_start3A = arith.constant 0 : i32
      %dma_start3A_39 = tpu.memref_slice %arg7[%run_scoped3A_13, %dma_start3A] : memref<4x8192xf32, #tpu.memory_space<vmem>> -> memref<1x8192xf32, #tpu.memory_space<vmem>>
      %dma_start3A_40 = tpu.memref_squeeze %dma_start3A_39 : memref<1x8192xf32, #tpu.memory_space<vmem>> -> memref<8192xf32, #tpu.memory_space<vmem>>
      %dma_start3A_41 = arith.constant 16384 : i32
      %dma_start3A_42 = tpu.memref_slice %arg3[%dma_start3A_41] : memref<32768xf32, #tpu.memory_space<hbm>> -> memref<8192xf32, #tpu.memory_space<hbm>>
      %dma_start3A_43 = arith.constant 0 : i32
      %dma_start3A_44 = tpu.memref_slice %arg7[%run_scoped3A_13, %dma_start3A_43] : memref<4x8192xf32, #tpu.memory_space<vmem>> -> memref<1x8192xf32, #tpu.memory_space<vmem>>
      %dma_start3A_45 = tpu.memref_squeeze %dma_start3A_44 : memref<1x8192xf32, #tpu.memory_space<vmem>> -> memref<8192xf32, #tpu.memory_space<vmem>>
      %dma_start3A_46 = arith.constant 16384 : i32
      %dma_start3A_47 = tpu.memref_slice %arg3[%dma_start3A_46] : memref<32768xf32, #tpu.memory_space<hbm>> -> memref<8192xf32, #tpu.memory_space<hbm>>
      tpu.enqueue_dma source(%dma_start3A_47 : memref<8192xf32, #tpu.memory_space<hbm>>) target(%dma_start3A_45 : memref<8192xf32, #tpu.memory_space<vmem>>) target_semaphore(%run_scoped3A_38 : memref<!tpu.dma_semaphore, #tpu.memory_space<semaphore_mem>>)
      %dma_wait3A = arith.constant 0 : i32
      %dma_wait3A_48 = tpu.memref_slice %arg7[%run_scoped3A_13, %dma_wait3A] : memref<4x8192xf32, #tpu.memory_space<vmem>> -> memref<1x8192xf32, #tpu.memory_space<vmem>>
      %dma_wait3A_49 = tpu.memref_squeeze %dma_wait3A_48 : memref<1x8192xf32, #tpu.memory_space<vmem>> -> memref<8192xf32, #tpu.memory_space<vmem>>
      %dma_wait3A_50 = arith.constant 16384 : i32
      %dma_wait3A_51 = tpu.memref_slice %arg3[%dma_wait3A_50] : memref<32768xf32, #tpu.memory_space<hbm>> -> memref<8192xf32, #tpu.memory_space<hbm>>
      %dma_wait3A_52 = arith.constant 0 : i32
      %dma_wait3A_53 = tpu.memref_slice %arg7[%run_scoped3A_13, %dma_wait3A_52] : memref<4x8192xf32, #tpu.memory_space<vmem>> -> memref<1x8192xf32, #tpu.memory_space<vmem>>
      %dma_wait3A_54 = tpu.memref_squeeze %dma_wait3A_53 : memref<1x8192xf32, #tpu.memory_space<vmem>> -> memref<8192xf32, #tpu.memory_space<vmem>>
      %dma_wait3A_55 = arith.constant 16384 : i32
      %dma_wait3A_56 = tpu.memref_slice %arg3[%dma_wait3A_55] : memref<32768xf32, #tpu.memory_space<hbm>> -> memref<8192xf32, #tpu.memory_space<hbm>>
      tpu.wait_dma2 semaphore(%run_scoped3A_38 : memref<!tpu.dma_semaphore, #tpu.memory_space<semaphore_mem>>) src(%dma_wait3A_56 : memref<8192xf32, #tpu.memory_space<hbm>>) dst(%dma_wait3A_54 : memref<8192xf32, #tpu.memory_space<vmem>>)
      tpu.yield
    }) : () -> ()
    %add3A_14 = arith.constant 1536 : i32
    %add3A_15 = arith.addi %add3A_14, %mul3A_2 : i32
    %run_scoped3A_16 = arith.constant 3 : i32
    "tpu.region"() ({
      %run_scoped3A_38 = tpu.sem_alloc : memref<!tpu.dma_semaphore, #tpu.memory_space<semaphore_mem>>
      %dma_start3A = arith.constant 0 : i32
      %dma_start3A_39 = tpu.memref_slice %arg6[%run_scoped3A_16, %dma_start3A] : memref<4x16xf32, #tpu.memory_space<vmem>> -> memref<1x16xf32, #tpu.memory_space<vmem>>
      %dma_start3A_40 = tpu.memref_squeeze %dma_start3A_39 : memref<1x16xf32, #tpu.memory_space<vmem>> -> memref<16xf32, #tpu.memory_space<vmem>>
      %dma_start3A_41 = tpu.memref_slice %arg2[%add3A_15] : memref<2048xf32, #tpu.memory_space<hbm>> -> memref<16xf32, #tpu.memory_space<hbm>>
      %dma_start3A_42 = arith.constant 0 : i32
      %dma_start3A_43 = tpu.memref_slice %arg6[%run_scoped3A_16, %dma_start3A_42] : memref<4x16xf32, #tpu.memory_space<vmem>> -> memref<1x16xf32, #tpu.memory_space<vmem>>
      %dma_start3A_44 = tpu.memref_squeeze %dma_start3A_43 : memref<1x16xf32, #tpu.memory_space<vmem>> -> memref<16xf32, #tpu.memory_space<vmem>>
      %dma_start3A_45 = tpu.memref_slice %arg2[%add3A_15] : memref<2048xf32, #tpu.memory_space<hbm>> -> memref<16xf32, #tpu.memory_space<hbm>>
      tpu.enqueue_dma source(%dma_start3A_45 : memref<16xf32, #tpu.memory_space<hbm>>) target(%dma_start3A_44 : memref<16xf32, #tpu.memory_space<vmem>>) target_semaphore(%run_scoped3A_38 : memref<!tpu.dma_semaphore, #tpu.memory_space<semaphore_mem>>)
      %dma_wait3A = arith.constant 0 : i32
      %dma_wait3A_46 = tpu.memref_slice %arg6[%run_scoped3A_16, %dma_wait3A] : memref<4x16xf32, #tpu.memory_space<vmem>> -> memref<1x16xf32, #tpu.memory_space<vmem>>
      %dma_wait3A_47 = tpu.memref_squeeze %dma_wait3A_46 : memref<1x16xf32, #tpu.memory_space<vmem>> -> memref<16xf32, #tpu.memory_space<vmem>>
      %dma_wait3A_48 = tpu.memref_slice %arg2[%add3A_15] : memref<2048xf32, #tpu.memory_space<hbm>> -> memref<16xf32, #tpu.memory_space<hbm>>
      %dma_wait3A_49 = arith.constant 0 : i32
      %dma_wait3A_50 = tpu.memref_slice %arg6[%run_scoped3A_16, %dma_wait3A_49] : memref<4x16xf32, #tpu.memory_space<vmem>> -> memref<1x16xf32, #tpu.memory_space<vmem>>
      %dma_wait3A_51 = tpu.memref_squeeze %dma_wait3A_50 : memref<1x16xf32, #tpu.memory_space<vmem>> -> memref<16xf32, #tpu.memory_space<vmem>>
      %dma_wait3A_52 = tpu.memref_slice %arg2[%add3A_15] : memref<2048xf32, #tpu.memory_space<hbm>> -> memref<16xf32, #tpu.memory_space<hbm>>
      tpu.wait_dma2 semaphore(%run_scoped3A_38 : memref<!tpu.dma_semaphore, #tpu.memory_space<semaphore_mem>>) src(%dma_wait3A_52 : memref<16xf32, #tpu.memory_space<hbm>>) dst(%dma_wait3A_51 : memref<16xf32, #tpu.memory_space<vmem>>)
      tpu.yield
    }) : () -> ()
    %run_scoped3A_17 = arith.constant 3 : i32
    "tpu.region"() ({
      %run_scoped3A_38 = tpu.sem_alloc : memref<!tpu.dma_semaphore, #tpu.memory_space<semaphore_mem>>
      %dma_start3A = arith.constant 0 : i32
      %dma_start3A_39 = tpu.memref_slice %arg7[%run_scoped3A_17, %dma_start3A] : memref<4x8192xf32, #tpu.memory_space<vmem>> -> memref<1x8192xf32, #tpu.memory_space<vmem>>
      %dma_start3A_40 = tpu.memref_squeeze %dma_start3A_39 : memref<1x8192xf32, #tpu.memory_space<vmem>> -> memref<8192xf32, #tpu.memory_space<vmem>>
      %dma_start3A_41 = arith.constant 24576 : i32
      %dma_start3A_42 = tpu.memref_slice %arg3[%dma_start3A_41] : memref<32768xf32, #tpu.memory_space<hbm>> -> memref<8192xf32, #tpu.memory_space<hbm>>
      %dma_start3A_43 = arith.constant 0 : i32
      %dma_start3A_44 = tpu.memref_slice %arg7[%run_scoped3A_17, %dma_start3A_43] : memref<4x8192xf32, #tpu.memory_space<vmem>> -> memref<1x8192xf32, #tpu.memory_space<vmem>>
      %dma_start3A_45 = tpu.memref_squeeze %dma_start3A_44 : memref<1x8192xf32, #tpu.memory_space<vmem>> -> memref<8192xf32, #tpu.memory_space<vmem>>
      %dma_start3A_46 = arith.constant 24576 : i32
      %dma_start3A_47 = tpu.memref_slice %arg3[%dma_start3A_46] : memref<32768xf32, #tpu.memory_space<hbm>> -> memref<8192xf32, #tpu.memory_space<hbm>>
      tpu.enqueue_dma source(%dma_start3A_47 : memref<8192xf32, #tpu.memory_space<hbm>>) target(%dma_start3A_45 : memref<8192xf32, #tpu.memory_space<vmem>>) target_semaphore(%run_scoped3A_38 : memref<!tpu.dma_semaphore, #tpu.memory_space<semaphore_mem>>)
      %dma_wait3A = arith.constant 0 : i32
      %dma_wait3A_48 = tpu.memref_slice %arg7[%run_scoped3A_17, %dma_wait3A] : memref<4x8192xf32, #tpu.memory_space<vmem>> -> memref<1x8192xf32, #tpu.memory_space<vmem>>
      %dma_wait3A_49 = tpu.memref_squeeze %dma_wait3A_48 : memref<1x8192xf32, #tpu.memory_space<vmem>> -> memref<8192xf32, #tpu.memory_space<vmem>>
      %dma_wait3A_50 = arith.constant 24576 : i32
      %dma_wait3A_51 = tpu.memref_slice %arg3[%dma_wait3A_50] : memref<32768xf32, #tpu.memory_space<hbm>> -> memref<8192xf32, #tpu.memory_space<hbm>>
      %dma_wait3A_52 = arith.constant 0 : i32
      %dma_wait3A_53 = tpu.memref_slice %arg7[%run_scoped3A_17, %dma_wait3A_52] : memref<4x8192xf32, #tpu.memory_space<vmem>> -> memref<1x8192xf32, #tpu.memory_space<vmem>>
      %dma_wait3A_54 = tpu.memref_squeeze %dma_wait3A_53 : memref<1x8192xf32, #tpu.memory_space<vmem>> -> memref<8192xf32, #tpu.memory_space<vmem>>
      %dma_wait3A_55 = arith.constant 24576 : i32
      %dma_wait3A_56 = tpu.memref_slice %arg3[%dma_wait3A_55] : memref<32768xf32, #tpu.memory_space<hbm>> -> memref<8192xf32, #tpu.memory_space<hbm>>
      tpu.wait_dma2 semaphore(%run_scoped3A_38 : memref<!tpu.dma_semaphore, #tpu.memory_space<semaphore_mem>>) src(%dma_wait3A_56 : memref<8192xf32, #tpu.memory_space<hbm>>) dst(%dma_wait3A_54 : memref<8192xf32, #tpu.memory_space<vmem>>)
      tpu.yield
    }) : () -> ()
    %broadcast_in_dim3A = arith.constant 0x7F800000 : f32
    %broadcast_in_dim3A_18 = vector.broadcast %broadcast_in_dim3A : f32 to vector<16xf32>
    %scan3A = arith.constant 0 : i32
    %scan3A_19 = arith.constant 0 : i32
    %scan3A_20 = arith.constant 512 : i32
    %scan3A_21 = arith.addi %scan3A_19, %scan3A_20 : i32
    %scan3A_22 = arith.constant 1 : i32
    %scan3A_23 = scf.for %scan3A_38 = %scan3A_19 to %scan3A_21 step %scan3A_22 iter_args(%scan3A_39 = %scan3A) -> (i32)  : i32 {
      %mul3A_40 = arith.constant 16 : i32
      %mul3A_41 = arith.muli %scan3A_38, %mul3A_40 : i32
      %swap3A = arith.constant 0 : i32
      %swap3A_42 = arith.index_cast %swap3A : i32 to index
      %swap3A_43 = arith.index_cast %mul3A_41 : i32 to index
      %swap3A_44 = tpu.vector_load %arg8[%swap3A_42, %swap3A_43] {strides = array<i32>} : memref<1x8192xf32, #tpu.memory_space<vmem>>, vector<1x16xf32>,
      %swap3A_45 = vector.shape_cast %swap3A_44 : vector<1x16xf32> to vector<16xf32>
      %swap3A_46 = vector.shape_cast %broadcast_in_dim3A_18 : vector<16xf32> to vector<1x16xf32>
      tpu.vector_store %arg8[%swap3A_42, %swap3A_43], %swap3A_46 {strides = array<i32>} : memref<1x8192xf32, #tpu.memory_space<vmem>>, vector<1x16xf32>,
      %scan3A_47 = arith.constant 0 : i32
      scf.yield %scan3A_47 : i32
    }
    %scan3A_24 = arith.constant 512 : i32
    %scan3A_25 = arith.constant 0 : i32
    %scan3A_26 = arith.constant 0 : i32
    %scan3A_27 = arith.constant 2 : i32
    %scan3A_28 = arith.addi %scan3A_26, %scan3A_27 : i32
    %scan3A_29 = arith.constant 1 : i32
    %scan3A_30 = scf.for %scan3A_38 = %scan3A_26 to %scan3A_28 step %scan3A_29 iter_args(%scan3A_39 = %scan3A_25) -> (i32)  : i32 {
      %mul3A_40 = arith.constant 8 : i32
      %mul3A_41 = arith.muli %scan3A_38, %mul3A_40 : i32
      %jit3A = arith.constant 16 : i32
      %div3A = arith.divsi %mul3A_41, %jit3A : i32
      %sign3A = arith.constant 0 : i32
      %sign3A_42 = arith.cmpi sgt, %mul3A_41, %sign3A : i32
      %sign3A_43 = arith.extui %sign3A_42 : i1 to i32
      %sign3A_44 = arith.constant 0 : i32
      %sign3A_45 = arith.cmpi slt, %mul3A_41, %sign3A_44 : i32
      %sign3A_46 = arith.extui %sign3A_45 : i1 to i32
      %sign3A_47 = arith.subi %sign3A_43, %sign3A_46 : i32
      %sign3A_48 = arith.constant 0 : i32
      %sign3A_49 = arith.cmpi sgt, %jit3A, %sign3A_48 : i32
      %sign3A_50 = arith.extui %sign3A_49 : i1 to i32
      %sign3A_51 = arith.constant 0 : i32
      %sign3A_52 = arith.cmpi slt, %jit3A, %sign3A_51 : i32
      %sign3A_53 = arith.extui %sign3A_52 : i1 to i32
      %sign3A_54 = arith.subi %sign3A_50, %sign3A_53 : i32
      %ne3A = arith.cmpi ne, %sign3A_47, %sign3A_54 : i32
      %rem3A = arith.remsi %mul3A_41, %jit3A : i32
      %ne3A_55 = arith.constant 0 : i32
      %ne3A_56 = arith.cmpi ne, %rem3A, %ne3A_55 : i32
      %and3A = arith.andi %ne3A, %ne3A_56 : i1
      %sub3A = arith.constant 1 : i32
      %sub3A_57 = arith.subi %div3A, %sub3A : i32
      %select_n3A = arith.select %and3A, %sub3A_57, %div3A : i32
      %jit3A_58 = arith.constant 16 : i32
      %eq3A = arith.constant 0 : i32
      %eq3A_59 = arith.cmpi eq, %jit3A_58, %eq3A : i32
      %jit3A_60 = arith.constant 1 : i32
      %select_n3A_61 = arith.select %eq3A_59, %jit3A_60, %jit3A_58 : i32
      %rem3A_62 = arith.remsi %mul3A_41, %select_n3A_61 : i32
      %ne3A_63 = arith.constant 0 : i32
      %ne3A_64 = arith.cmpi ne, %rem3A_62, %ne3A_63 : i32
      %lt3A = arith.constant 0 : i32
      %lt3A_65 = arith.cmpi slt, %rem3A_62, %lt3A : i32
      %lt3A_66 = arith.constant 0 : i32
      %lt3A_67 = arith.cmpi slt, %select_n3A_61, %lt3A_66 : i32
      %ne3A_68 = arith.xori %lt3A_65, %lt3A_67 : i1
      %and3A_69 = arith.andi %ne3A_68, %ne3A_64 : i1
      %add3A_70 = arith.addi %rem3A_62, %select_n3A_61 : i32
      %select_n3A_71 = arith.select %and3A_69, %add3A_70, %rem3A_62 : i32
      %mul3A_72 = arith.constant 16 : i32
      %mul3A_73 = arith.muli %select_n3A, %mul3A_72 : i32
      %get3A = arith.constant 0 : i32
      %get3A_74 = arith.index_cast %get3A : i32 to index
      %get3A_75 = arith.index_cast %mul3A_73 : i32 to index
      %get3A_76 = tpu.vector_load %arg6[%get3A_74, %get3A_75] {strides = array<i32>} : memref<4x16xf32, #tpu.memory_space<vmem>>, vector<1x16xf32>,
      %get3A_77 = vector.shape_cast %get3A_76 : vector<1x16xf32> to vector<16xf32>
      %mul3A_78 = arith.constant 16 : i32
      %mul3A_79 = arith.muli %select_n3A, %mul3A_78 : i32
      %get3A_80 = arith.constant 1 : i32
      %get3A_81 = arith.index_cast %get3A_80 : i32 to index
      %get3A_82 = arith.index_cast %mul3A_79 : i32 to index
      %get3A_83 = tpu.vector_load %arg6[%get3A_81, %get3A_82] {strides = array<i32>} : memref<4x16xf32, #tpu.memory_space<vmem>>, vector<1x16xf32>,
      %get3A_84 = vector.shape_cast %get3A_83 : vector<1x16xf32> to vector<16xf32>
      %mul3A_85 = arith.constant 16 : i32
      %mul3A_86 = arith.muli %select_n3A, %mul3A_85 : i32
      %get3A_87 = arith.constant 2 : i32
      %get3A_88 = arith.index_cast %get3A_87 : i32 to index
      %get3A_89 = arith.index_cast %mul3A_86 : i32 to index
      %get3A_90 = tpu.vector_load %arg6[%get3A_88, %get3A_89] {strides = array<i32>} : memref<4x16xf32, #tpu.memory_space<vmem>>, vector<1x16xf32>,
      %get3A_91 = vector.shape_cast %get3A_90 : vector<1x16xf32> to vector<16xf32>
      %mul3A_92 = arith.constant 16 : i32
      %mul3A_93 = arith.muli %select_n3A, %mul3A_92 : i32
      %get3A_94 = arith.constant 3 : i32
      %get3A_95 = arith.index_cast %get3A_94 : i32 to index
      %get3A_96 = arith.index_cast %mul3A_93 : i32 to index
      %get3A_97 = tpu.vector_load %arg6[%get3A_95, %get3A_96] {strides = array<i32>} : memref<4x16xf32, #tpu.memory_space<vmem>>, vector<1x16xf32>,
      %get3A_98 = vector.shape_cast %get3A_97 : vector<1x16xf32> to vector<16xf32>
      %add3A_99 = arith.constant 0 : i32
      %add3A_100 = arith.addi %select_n3A_71, %add3A_99 : i32
      %broadcast_in_dim3A_101 = vector.broadcast %add3A_100 : i32 to vector<16x1xi32>
      %gather3A = vector.shape_cast %broadcast_in_dim3A_101 : vector<16x1xi32> to vector<16xi32>
      %gather3A_102 = tpu.dynamic_gather %get3A_77[%gather3A] in [0] : vector<16xf32>, vector<16xi32> -> vector<16xf32>
      %add3A_103 = arith.constant 0 : i32
      %add3A_104 = arith.addi %select_n3A_71, %add3A_103 : i32
      %broadcast_in_dim3A_105 = vector.broadcast %add3A_104 : i32 to vector<16x1xi32>
      %gather3A_106 = vector.shape_cast %broadcast_in_dim3A_105 : vector<16x1xi32> to vector<16xi32>
      %gather3A_107 = tpu.dynamic_gather %get3A_84[%gather3A_106] in [0] : vector<16xf32>, vector<16xi32> -> vector<16xf32>
      %add3A_108 = arith.constant 0 : i32
      %add3A_109 = arith.addi %select_n3A_71, %add3A_108 : i32
      %broadcast_in_dim3A_110 = vector.broadcast %add3A_109 : i32 to vector<16x1xi32>
      %gather3A_111 = vector.shape_cast %broadcast_in_dim3A_110 : vector<16x1xi32> to vector<16xi32>
      %gather3A_112 = tpu.dynamic_gather %get3A_91[%gather3A_111] in [0] : vector<16xf32>, vector<16xi32> -> vector<16xf32>
      %add3A_113 = arith.constant 0 : i32
      %add3A_114 = arith.addi %select_n3A_71, %add3A_113 : i32
      %broadcast_in_dim3A_115 = vector.broadcast %add3A_114 : i32 to vector<16x1xi32>
      %gather3A_116 = vector.shape_cast %broadcast_in_dim3A_115 : vector<16x1xi32> to vector<16xi32>
      %gather3A_117 = tpu.dynamic_gather %get3A_98[%gather3A_116] in [0] : vector<16xf32>, vector<16xi32> -> vector<16xf32>
      %add3A_118 = arith.constant 1 : i32
      %add3A_119 = arith.addi %select_n3A_71, %add3A_118 : i32
      %broadcast_in_dim3A_120 = vector.broadcast %add3A_119 : i32 to vector<16x1xi32>
      %gather3A_121 = vector.shape_cast %broadcast_in_dim3A_120 : vector<16x1xi32> to vector<16xi32>
      %gather3A_122 = tpu.dynamic_gather %get3A_77[%gather3A_121] in [0] : vector<16xf32>, vector<16xi32> -> vector<16xf32>
      %add3A_123 = arith.constant 1 : i32
      %add3A_124 = arith.addi %select_n3A_71, %add3A_123 : i32
      %broadcast_in_dim3A_125 = vector.broadcast %add3A_124 : i32 to vector<16x1xi32>
      %gather3A_126 = vector.shape_cast %broadcast_in_dim3A_125 : vector<16x1xi32> to vector<16xi32>
      %gather3A_127 = tpu.dynamic_gather %get3A_84[%gather3A_126] in [0] : vector<16xf32>, vector<16xi32> -> vector<16xf32>
      %add3A_128 = arith.constant 1 : i32
      %add3A_129 = arith.addi %select_n3A_71, %add3A_128 : i32
      %broadcast_in_dim3A_130 = vector.broadcast %add3A_129 : i32 to vector<16x1xi32>
      %gather3A_131 = vector.shape_cast %broadcast_in_dim3A_130 : vector<16x1xi32> to vector<16xi32>
      %gather3A_132 = tpu.dynamic_gather %get3A_91[%gather3A_131] in [0] : vector<16xf32>, vector<16xi32> -> vector<16xf32>
      %add3A_133 = arith.constant 1 : i32
      %add3A_134 = arith.addi %select_n3A_71, %add3A_133 : i32
      %broadcast_in_dim3A_135 = vector.broadcast %add3A_134 : i32 to vector<16x1xi32>
      %gather3A_136 = vector.shape_cast %broadcast_in_dim3A_135 : vector<16x1xi32> to vector<16xi32>
      %gather3A_137 = tpu.dynamic_gather %get3A_98[%gather3A_136] in [0] : vector<16xf32>, vector<16xi32> -> vector<16xf32>
      %add3A_138 = arith.constant 2 : i32
      %add3A_139 = arith.addi %select_n3A_71, %add3A_138 : i32
      %broadcast_in_dim3A_140 = vector.broadcast %add3A_139 : i32 to vector<16x1xi32>
      %gather3A_141 = vector.shape_cast %broadcast_in_dim3A_140 : vector<16x1xi32> to vector<16xi32>
      %gather3A_142 = tpu.dynamic_gather %get3A_77[%gather3A_141] in [0] : vector<16xf32>, vector<16xi32> -> vector<16xf32>
      %add3A_143 = arith.constant 2 : i32
      %add3A_144 = arith.addi %select_n3A_71, %add3A_143 : i32
      %broadcast_in_dim3A_145 = vector.broadcast %add3A_144 : i32 to vector<16x1xi32>
      %gather3A_146 = vector.shape_cast %broadcast_in_dim3A_145 : vector<16x1xi32> to vector<16xi32>
      %gather3A_147 = tpu.dynamic_gather %get3A_84[%gather3A_146] in [0] : vector<16xf32>, vector<16xi32> -> vector<16xf32>
      %add3A_148 = arith.constant 2 : i32
      %add3A_149 = arith.addi %select_n3A_71, %add3A_148 : i32
      %broadcast_in_dim3A_150 = vector.broadcast %add3A_149 : i32 to vector<16x1xi32>
      %gather3A_151 = vector.shape_cast %broadcast_in_dim3A_150 : vector<16x1xi32> to vector<16xi32>
      %gather3A_152 = tpu.dynamic_gather %get3A_91[%gather3A_151] in [0] : vector<16xf32>, vector<16xi32> -> vector<16xf32>
      %add3A_153 = arith.constant 2 : i32
      %add3A_154 = arith.addi %select_n3A_71, %add3A_153 : i32
      %broadcast_in_dim3A_155 = vector.broadcast %add3A_154 : i32 to vector<16x1xi32>
      %gather3A_156 = vector.shape_cast %broadcast_in_dim3A_155 : vector<16x1xi32> to vector<16xi32>
      %gather3A_157 = tpu.dynamic_gather %get3A_98[%gather3A_156] in [0] : vector<16xf32>, vector<16xi32> -> vector<16xf32>
      %add3A_158 = arith.constant 3 : i32
      %add3A_159 = arith.addi %select_n3A_71, %add3A_158 : i32
      %broadcast_in_dim3A_160 = vector.broadcast %add3A_159 : i32 to vector<16x1xi32>
      %gather3A_161 = vector.shape_cast %broadcast_in_dim3A_160 : vector<16x1xi32> to vector<16xi32>
      %gather3A_162 = tpu.dynamic_gather %get3A_77[%gather3A_161] in [0] : vector<16xf32>, vector<16xi32> -> vector<16xf32>
      %add3A_163 = arith.constant 3 : i32
      %add3A_164 = arith.addi %select_n3A_71, %add3A_163 : i32
      %broadcast_in_dim3A_165 = vector.broadcast %add3A_164 : i32 to vector<16x1xi32>
      %gather3A_166 = vector.shape_cast %broadcast_in_dim3A_165 : vector<16x1xi32> to vector<16xi32>
      %gather3A_167 = tpu.dynamic_gather %get3A_84[%gather3A_166] in [0] : vector<16xf32>, vector<16xi32> -> vector<16xf32>
      %add3A_168 = arith.constant 3 : i32
      %add3A_169 = arith.addi %select_n3A_71, %add3A_168 : i32
      %broadcast_in_dim3A_170 = vector.broadcast %add3A_169 : i32 to vector<16x1xi32>
      %gather3A_171 = vector.shape_cast %broadcast_in_dim3A_170 : vector<16x1xi32> to vector<16xi32>
      %gather3A_172 = tpu.dynamic_gather %get3A_91[%gather3A_171] in [0] : vector<16xf32>, vector<16xi32> -> vector<16xf32>
      %add3A_173 = arith.constant 3 : i32
      %add3A_174 = arith.addi %select_n3A_71, %add3A_173 : i32
      %broadcast_in_dim3A_175 = vector.broadcast %add3A_174 : i32 to vector<16x1xi32>
      %gather3A_176 = vector.shape_cast %broadcast_in_dim3A_175 : vector<16x1xi32> to vector<16xi32>
      %gather3A_177 = tpu.dynamic_gather %get3A_98[%gather3A_176] in [0] : vector<16xf32>, vector<16xi32> -> vector<16xf32>
      %add3A_178 = arith.constant 4 : i32
      %add3A_179 = arith.addi %select_n3A_71, %add3A_178 : i32
      %broadcast_in_dim3A_180 = vector.broadcast %add3A_179 : i32 to vector<16x1xi32>
      %gather3A_181 = vector.shape_cast %broadcast_in_dim3A_180 : vector<16x1xi32> to vector<16xi32>
      %gather3A_182 = tpu.dynamic_gather %get3A_77[%gather3A_181] in [0] : vector<16xf32>, vector<16xi32> -> vector<16xf32>
      %add3A_183 = arith.constant 4 : i32
      %add3A_184 = arith.addi %select_n3A_71, %add3A_183 : i32
      %broadcast_in_dim3A_185 = vector.broadcast %add3A_184 : i32 to vector<16x1xi32>
      %gather3A_186 = vector.shape_cast %broadcast_in_dim3A_185 : vector<16x1xi32> to vector<16xi32>
      %gather3A_187 = tpu.dynamic_gather %get3A_84[%gather3A_186] in [0] : vector<16xf32>, vector<16xi32> -> vector<16xf32>
      %add3A_188 = arith.constant 4 : i32
      %add3A_189 = arith.addi %select_n3A_71, %add3A_188 : i32
      %broadcast_in_dim3A_190 = vector.broadcast %add3A_189 : i32 to vector<16x1xi32>
      %gather3A_191 = vector.shape_cast %broadcast_in_dim3A_190 : vector<16x1xi32> to vector<16xi32>
      %gather3A_192 = tpu.dynamic_gather %get3A_91[%gather3A_191] in [0] : vector<16xf32>, vector<16xi32> -> vector<16xf32>
      %add3A_193 = arith.constant 4 : i32
      %add3A_194 = arith.addi %select_n3A_71, %add3A_193 : i32
      %broadcast_in_dim3A_195 = vector.broadcast %add3A_194 : i32 to vector<16x1xi32>
      %gather3A_196 = vector.shape_cast %broadcast_in_dim3A_195 : vector<16x1xi32> to vector<16xi32>
      %gather3A_197 = tpu.dynamic_gather %get3A_98[%gather3A_196] in [0] : vector<16xf32>, vector<16xi32> -> vector<16xf32>
      %add3A_198 = arith.constant 5 : i32
      %add3A_199 = arith.addi %select_n3A_71, %add3A_198 : i32
      %broadcast_in_dim3A_200 = vector.broadcast %add3A_199 : i32 to vector<16x1xi32>
      %gather3A_201 = vector.shape_cast %broadcast_in_dim3A_200 : vector<16x1xi32> to vector<16xi32>
      %gather3A_202 = tpu.dynamic_gather %get3A_77[%gather3A_201] in [0] : vector<16xf32>, vector<16xi32> -> vector<16xf32>
      %add3A_203 = arith.constant 5 : i32
      %add3A_204 = arith.addi %select_n3A_71, %add3A_203 : i32
      %broadcast_in_dim3A_205 = vector.broadcast %add3A_204 : i32 to vector<16x1xi32>
      %gather3A_206 = vector.shape_cast %broadcast_in_dim3A_205 : vector<16x1xi32> to vector<16xi32>
      %gather3A_207 = tpu.dynamic_gather %get3A_84[%gather3A_206] in [0] : vector<16xf32>, vector<16xi32> -> vector<16xf32>
      %add3A_208 = arith.constant 5 : i32
      %add3A_209 = arith.addi %select_n3A_71, %add3A_208 : i32
      %broadcast_in_dim3A_210 = vector.broadcast %add3A_209 : i32 to vector<16x1xi32>
      %gather3A_211 = vector.shape_cast %broadcast_in_dim3A_210 : vector<16x1xi32> to vector<16xi32>
      %gather3A_212 = tpu.dynamic_gather %get3A_91[%gather3A_211] in [0] : vector<16xf32>, vector<16xi32> -> vector<16xf32>
      %add3A_213 = arith.constant 5 : i32
      %add3A_214 = arith.addi %select_n3A_71, %add3A_213 : i32
      %broadcast_in_dim3A_215 = vector.broadcast %add3A_214 : i32 to vector<16x1xi32>
      %gather3A_216 = vector.shape_cast %broadcast_in_dim3A_215 : vector<16x1xi32> to vector<16xi32>
      %gather3A_217 = tpu.dynamic_gather %get3A_98[%gather3A_216] in [0] : vector<16xf32>, vector<16xi32> -> vector<16xf32>
      %add3A_218 = arith.constant 6 : i32
      %add3A_219 = arith.addi %select_n3A_71, %add3A_218 : i32
      %broadcast_in_dim3A_220 = vector.broadcast %add3A_219 : i32 to vector<16x1xi32>
      %gather3A_221 = vector.shape_cast %broadcast_in_dim3A_220 : vector<16x1xi32> to vector<16xi32>
      %gather3A_222 = tpu.dynamic_gather %get3A_77[%gather3A_221] in [0] : vector<16xf32>, vector<16xi32> -> vector<16xf32>
      %add3A_223 = arith.constant 6 : i32
      %add3A_224 = arith.addi %select_n3A_71, %add3A_223 : i32
      %broadcast_in_dim3A_225 = vector.broadcast %add3A_224 : i32 to vector<16x1xi32>
      %gather3A_226 = vector.shape_cast %broadcast_in_dim3A_225 : vector<16x1xi32> to vector<16xi32>
      %gather3A_227 = tpu.dynamic_gather %get3A_84[%gather3A_226] in [0] : vector<16xf32>, vector<16xi32> -> vector<16xf32>
      %add3A_228 = arith.constant 6 : i32
      %add3A_229 = arith.addi %select_n3A_71, %add3A_228 : i32
      %broadcast_in_dim3A_230 = vector.broadcast %add3A_229 : i32 to vector<16x1xi32>
      %gather3A_231 = vector.shape_cast %broadcast_in_dim3A_230 : vector<16x1xi32> to vector<16xi32>
      %gather3A_232 = tpu.dynamic_gather %get3A_91[%gather3A_231] in [0] : vector<16xf32>, vector<16xi32> -> vector<16xf32>
      %add3A_233 = arith.constant 6 : i32
      %add3A_234 = arith.addi %select_n3A_71, %add3A_233 : i32
      %broadcast_in_dim3A_235 = vector.broadcast %add3A_234 : i32 to vector<16x1xi32>
      %gather3A_236 = vector.shape_cast %broadcast_in_dim3A_235 : vector<16x1xi32> to vector<16xi32>
      %gather3A_237 = tpu.dynamic_gather %get3A_98[%gather3A_236] in [0] : vector<16xf32>, vector<16xi32> -> vector<16xf32>
      %add3A_238 = arith.constant 7 : i32
      %add3A_239 = arith.addi %select_n3A_71, %add3A_238 : i32
      %broadcast_in_dim3A_240 = vector.broadcast %add3A_239 : i32 to vector<16x1xi32>
      %gather3A_241 = vector.shape_cast %broadcast_in_dim3A_240 : vector<16x1xi32> to vector<16xi32>
      %gather3A_242 = tpu.dynamic_gather %get3A_77[%gather3A_241] in [0] : vector<16xf32>, vector<16xi32> -> vector<16xf32>
      %add3A_243 = arith.constant 7 : i32
      %add3A_244 = arith.addi %select_n3A_71, %add3A_243 : i32
      %broadcast_in_dim3A_245 = vector.broadcast %add3A_244 : i32 to vector<16x1xi32>
      %gather3A_246 = vector.shape_cast %broadcast_in_dim3A_245 : vector<16x1xi32> to vector<16xi32>
      %gather3A_247 = tpu.dynamic_gather %get3A_84[%gather3A_246] in [0] : vector<16xf32>, vector<16xi32> -> vector<16xf32>
      %add3A_248 = arith.constant 7 : i32
      %add3A_249 = arith.addi %select_n3A_71, %add3A_248 : i32
      %broadcast_in_dim3A_250 = vector.broadcast %add3A_249 : i32 to vector<16x1xi32>
      %gather3A_251 = vector.shape_cast %broadcast_in_dim3A_250 : vector<16x1xi32> to vector<16xi32>
      %gather3A_252 = tpu.dynamic_gather %get3A_91[%gather3A_251] in [0] : vector<16xf32>, vector<16xi32> -> vector<16xf32>
      %add3A_253 = arith.constant 7 : i32
      %add3A_254 = arith.addi %select_n3A_71, %add3A_253 : i32
      %broadcast_in_dim3A_255 = vector.broadcast %add3A_254 : i32 to vector<16x1xi32>
      %gather3A_256 = vector.shape_cast %broadcast_in_dim3A_255 : vector<16x1xi32> to vector<16xi32>
      %gather3A_257 = tpu.dynamic_gather %get3A_98[%gather3A_256] in [0] : vector<16xf32>, vector<16xi32> -> vector<16xf32>
      %scan3A_258 = arith.constant 0 : i32
      %scan3A_259 = arith.constant 512 : i32
      %scan3A_260 = arith.addi %scan3A_258, %scan3A_259 : i32
      %scan3A_261 = arith.constant 2 : i32
      %scan3A_262:8 = scf.for %scan3A_344 = %scan3A_258 to %scan3A_260 step %scan3A_261 iter_args(%scan3A_345 = %broadcast_in_dim3A_18, %scan3A_346 = %broadcast_in_dim3A_18, %scan3A_347 = %broadcast_in_dim3A_18, %scan3A_348 = %broadcast_in_dim3A_18, %scan3A_349 = %broadcast_in_dim3A_18, %scan3A_350 = %broadcast_in_dim3A_18, %scan3A_351 = %broadcast_in_dim3A_18, %scan3A_352 = %broadcast_in_dim3A_18) -> (vector<16xf32>, vector<16xf32>, vector<16xf32>, vector<16xf32>, vector<16xf32>, vector<16xf32>, vector<16xf32>, vector<16xf32>)  : i32 {
        %mul3A_353 = arith.constant 16 : i32
        %mul3A_354 = arith.muli %scan3A_344, %mul3A_353 : i32
        %get3A_355 = arith.constant 0 : i32
        %get3A_356 = arith.index_cast %get3A_355 : i32 to index
        %get3A_357 = arith.index_cast %mul3A_354 : i32 to index
        %get3A_358 = tpu.vector_load %arg7[%get3A_356, %get3A_357] {strides = array<i32>} : memref<4x8192xf32, #tpu.memory_space<vmem>>, vector<1x16xf32>,
        %get3A_359 = vector.shape_cast %get3A_358 : vector<1x16xf32> to vector<16xf32>
        %get3A_360 = arith.constant 1 : i32
        %get3A_361 = arith.index_cast %get3A_360 : i32 to index
        %get3A_362 = arith.index_cast %mul3A_354 : i32 to index
        %get3A_363 = tpu.vector_load %arg7[%get3A_361, %get3A_362] {strides = array<i32>} : memref<4x8192xf32, #tpu.memory_space<vmem>>, vector<1x16xf32>,
        %get3A_364 = vector.shape_cast %get3A_363 : vector<1x16xf32> to vector<16xf32>
        %get3A_365 = arith.constant 2 : i32
        %get3A_366 = arith.index_cast %get3A_365 : i32 to index
        %get3A_367 = arith.index_cast %mul3A_354 : i32 to index
        %get3A_368 = tpu.vector_load %arg7[%get3A_366, %get3A_367] {strides = array<i32>} : memref<4x8192xf32, #tpu.memory_space<vmem>>, vector<1x16xf32>,
        %get3A_369 = vector.shape_cast %get3A_368 : vector<1x16xf32> to vector<16xf32>
        %get3A_370 = arith.constant 3 : i32
        %get3A_371 = arith.index_cast %get3A_370 : i32 to index
        %get3A_372 = arith.index_cast %mul3A_354 : i32 to index
        %get3A_373 = tpu.vector_load %arg7[%get3A_371, %get3A_372] {strides = array<i32>} : memref<4x8192xf32, #tpu.memory_space<vmem>>, vector<1x16xf32>,
        %get3A_374 = vector.shape_cast %get3A_373 : vector<1x16xf32> to vector<16xf32>
        %get3A_375 = arith.constant 0 : i32
        %get3A_376 = arith.index_cast %get3A_375 : i32 to index
        %get3A_377 = arith.index_cast %mul3A_354 : i32 to index
        %get3A_378 = tpu.vector_load %arg8[%get3A_376, %get3A_377] {strides = array<i32>} : memref<1x8192xf32, #tpu.memory_space<vmem>>, vector<1x16xf32>,
        %get3A_379 = vector.shape_cast %get3A_378 : vector<1x16xf32> to vector<16xf32>
        %mul3A_380 = arith.mulf %gather3A_102, %get3A_359 : vector<16xf32>
        %mul3A_381 = arith.mulf %gather3A_107, %get3A_364 : vector<16xf32>
        %add3A_382 = arith.addf %mul3A_380, %mul3A_381 : vector<16xf32>
        %mul3A_383 = arith.mulf %gather3A_112, %get3A_369 : vector<16xf32>
        %add3A_384 = arith.addf %add3A_382, %mul3A_383 : vector<16xf32>
        %add3A_385 = arith.addf %add3A_384, %get3A_374 : vector<16xf32>
        %min3A = arith.minimumf %scan3A_345, %add3A_385 : vector<16xf32>
        %add3A_386 = arith.addf %add3A_385, %gather3A_117 : vector<16xf32>
        %min3A_387 = arith.minimumf %get3A_379, %add3A_386 : vector<16xf32>
        %mul3A_388 = arith.mulf %gather3A_122, %get3A_359 : vector<16xf32>
        %mul3A_389 = arith.mulf %gather3A_127, %get3A_364 : vector<16xf32>
        %add3A_390 = arith.addf %mul3A_388, %mul3A_389 : vector<16xf32>
        %mul3A_391 = arith.mulf %gather3A_132, %get3A_369 : vector<16xf32>
        %add3A_392 = arith.addf %add3A_390, %mul3A_391 : vector<16xf32>
        %add3A_393 = arith.addf %add3A_392, %get3A_374 : vector<16xf32>
        %min3A_394 = arith.minimumf %scan3A_346, %add3A_393 : vector<16xf32>
        %add3A_395 = arith.addf %add3A_393, %gather3A_137 : vector<16xf32>
        %min3A_396 = arith.minimumf %min3A_387, %add3A_395 : vector<16xf32>
        %mul3A_397 = arith.mulf %gather3A_142, %get3A_359 : vector<16xf32>
        %mul3A_398 = arith.mulf %gather3A_147, %get3A_364 : vector<16xf32>
        %add3A_399 = arith.addf %mul3A_397, %mul3A_398 : vector<16xf32>
        %mul3A_400 = arith.mulf %gather3A_152, %get3A_369 : vector<16xf32>
        %add3A_401 = arith.addf %add3A_399, %mul3A_400 : vector<16xf32>
        %add3A_402 = arith.addf %add3A_401, %get3A_374 : vector<16xf32>
        %min3A_403 = arith.minimumf %scan3A_347, %add3A_402 : vector<16xf32>
        %add3A_404 = arith.addf %add3A_402, %gather3A_157 : vector<16xf32>
        %min3A_405 = arith.minimumf %min3A_396, %add3A_404 : vector<16xf32>
        %mul3A_406 = arith.mulf %gather3A_162, %get3A_359 : vector<16xf32>
        %mul3A_407 = arith.mulf %gather3A_167, %get3A_364 : vector<16xf32>
        %add3A_408 = arith.addf %mul3A_406, %mul3A_407 : vector<16xf32>
        %mul3A_409 = arith.mulf %gather3A_172, %get3A_369 : vector<16xf32>
        %add3A_410 = arith.addf %add3A_408, %mul3A_409 : vector<16xf32>
        %add3A_411 = arith.addf %add3A_410, %get3A_374 : vector<16xf32>
        %min3A_412 = arith.minimumf %scan3A_348, %add3A_411 : vector<16xf32>
        %add3A_413 = arith.addf %add3A_411, %gather3A_177 : vector<16xf32>
        %min3A_414 = arith.minimumf %min3A_405, %add3A_413 : vector<16xf32>
        %mul3A_415 = arith.mulf %gather3A_182, %get3A_359 : vector<16xf32>
        %mul3A_416 = arith.mulf %gather3A_187, %get3A_364 : vector<16xf32>
        %add3A_417 = arith.addf %mul3A_415, %mul3A_416 : vector<16xf32>
        %mul3A_418 = arith.mulf %gather3A_192, %get3A_369 : vector<16xf32>
        %add3A_419 = arith.addf %add3A_417, %mul3A_418 : vector<16xf32>
        %add3A_420 = arith.addf %add3A_419, %get3A_374 : vector<16xf32>
        %min3A_421 = arith.minimumf %scan3A_349, %add3A_420 : vector<16xf32>
        %add3A_422 = arith.addf %add3A_420, %gather3A_197 : vector<16xf32>
        %min3A_423 = arith.minimumf %min3A_414, %add3A_422 : vector<16xf32>
        %mul3A_424 = arith.mulf %gather3A_202, %get3A_359 : vector<16xf32>
        %mul3A_425 = arith.mulf %gather3A_207, %get3A_364 : vector<16xf32>
        %add3A_426 = arith.addf %mul3A_424, %mul3A_425 : vector<16xf32>
        %mul3A_427 = arith.mulf %gather3A_212, %get3A_369 : vector<16xf32>
        %add3A_428 = arith.addf %add3A_426, %mul3A_427 : vector<16xf32>
        %add3A_429 = arith.addf %add3A_428, %get3A_374 : vector<16xf32>
        %min3A_430 = arith.minimumf %scan3A_350, %add3A_429 : vector<16xf32>
        %add3A_431 = arith.addf %add3A_429, %gather3A_217 : vector<16xf32>
        %min3A_432 = arith.minimumf %min3A_423, %add3A_431 : vector<16xf32>
        %mul3A_433 = arith.mulf %gather3A_222, %get3A_359 : vector<16xf32>
        %mul3A_434 = arith.mulf %gather3A_227, %get3A_364 : vector<16xf32>
        %add3A_435 = arith.addf %mul3A_433, %mul3A_434 : vector<16xf32>
        %mul3A_436 = arith.mulf %gather3A_232, %get3A_369 : vector<16xf32>
        %add3A_437 = arith.addf %add3A_435, %mul3A_436 : vector<16xf32>
        %add3A_438 = arith.addf %add3A_437, %get3A_374 : vector<16xf32>
        %min3A_439 = arith.minimumf %scan3A_351, %add3A_438 : vector<16xf32>
        %add3A_440 = arith.addf %add3A_438, %gather3A_237 : vector<16xf32>
        %min3A_441 = arith.minimumf %min3A_432, %add3A_440 : vector<16xf32>
        %mul3A_442 = arith.mulf %gather3A_242, %get3A_359 : vector<16xf32>
        %mul3A_443 = arith.mulf %gather3A_247, %get3A_364 : vector<16xf32>
        %add3A_444 = arith.addf %mul3A_442, %mul3A_443 : vector<16xf32>
        %mul3A_445 = arith.mulf %gather3A_252, %get3A_369 : vector<16xf32>
        %add3A_446 = arith.addf %add3A_444, %mul3A_445 : vector<16xf32>
        %add3A_447 = arith.addf %add3A_446, %get3A_374 : vector<16xf32>
        %min3A_448 = arith.minimumf %scan3A_352, %add3A_447 : vector<16xf32>
        %add3A_449 = arith.addf %add3A_447, %gather3A_257 : vector<16xf32>
        %min3A_450 = arith.minimumf %min3A_441, %add3A_449 : vector<16xf32>
        %swap3A_451 = arith.constant 0 : i32
        %swap3A_452 = arith.index_cast %swap3A_451 : i32 to index
        %swap3A_453 = arith.index_cast %mul3A_354 : i32 to index
        %swap3A_454 = tpu.vector_load %arg8[%swap3A_452, %swap3A_453] {strides = array<i32>} : memref<1x8192xf32, #tpu.memory_space<vmem>>, vector<1x16xf32>,
        %swap3A_455 = vector.shape_cast %swap3A_454 : vector<1x16xf32> to vector<16xf32>
        %swap3A_456 = vector.shape_cast %min3A_450 : vector<16xf32> to vector<1x16xf32>
        tpu.vector_store %arg8[%swap3A_452, %swap3A_453], %swap3A_456 {strides = array<i32>} : memref<1x8192xf32, #tpu.memory_space<vmem>>, vector<1x16xf32>,
        %scan3A_457 = arith.constant 1 : i32
        %scan3A_458 = arith.addi %scan3A_344, %scan3A_457 : i32
        %mul3A_459 = arith.constant 16 : i32
        %mul3A_460 = arith.muli %scan3A_458, %mul3A_459 : i32
        %get3A_461 = arith.constant 0 : i32
        %get3A_462 = arith.index_cast %get3A_461 : i32 to index
        %get3A_463 = arith.index_cast %mul3A_460 : i32 to index
        %get3A_464 = tpu.vector_load %arg7[%get3A_462, %get3A_463] {strides = array<i32>} : memref<4x8192xf32, #tpu.memory_space<vmem>>, vector<1x16xf32>,
        %get3A_465 = vector.shape_cast %get3A_464 : vector<1x16xf32> to vector<16xf32>
        %get3A_466 = arith.constant 1 : i32
        %get3A_467 = arith.index_cast %get3A_466 : i32 to index
        %get3A_468 = arith.index_cast %mul3A_460 : i32 to index
        %get3A_469 = tpu.vector_load %arg7[%get3A_467, %get3A_468] {strides = array<i32>} : memref<4x8192xf32, #tpu.memory_space<vmem>>, vector<1x16xf32>,
        %get3A_470 = vector.shape_cast %get3A_469 : vector<1x16xf32> to vector<16xf32>
        %get3A_471 = arith.constant 2 : i32
        %get3A_472 = arith.index_cast %get3A_471 : i32 to index
        %get3A_473 = arith.index_cast %mul3A_460 : i32 to index
        %get3A_474 = tpu.vector_load %arg7[%get3A_472, %get3A_473] {strides = array<i32>} : memref<4x8192xf32, #tpu.memory_space<vmem>>, vector<1x16xf32>,
        %get3A_475 = vector.shape_cast %get3A_474 : vector<1x16xf32> to vector<16xf32>
        %get3A_476 = arith.constant 3 : i32
        %get3A_477 = arith.index_cast %get3A_476 : i32 to index
        %get3A_478 = arith.index_cast %mul3A_460 : i32 to index
        %get3A_479 = tpu.vector_load %arg7[%get3A_477, %get3A_478] {strides = array<i32>} : memref<4x8192xf32, #tpu.memory_space<vmem>>, vector<1x16xf32>,
        %get3A_480 = vector.shape_cast %get3A_479 : vector<1x16xf32> to vector<16xf32>
        %get3A_481 = arith.constant 0 : i32
        %get3A_482 = arith.index_cast %get3A_481 : i32 to index
        %get3A_483 = arith.index_cast %mul3A_460 : i32 to index
        %get3A_484 = tpu.vector_load %arg8[%get3A_482, %get3A_483] {strides = array<i32>} : memref<1x8192xf32, #tpu.memory_space<vmem>>, vector<1x16xf32>,
        %get3A_485 = vector.shape_cast %get3A_484 : vector<1x16xf32> to vector<16xf32>
        %mul3A_486 = arith.mulf %gather3A_102, %get3A_465 : vector<16xf32>
        %mul3A_487 = arith.mulf %gather3A_107, %get3A_470 : vector<16xf32>
        %add3A_488 = arith.addf %mul3A_486, %mul3A_487 : vector<16xf32>
        %mul3A_489 = arith.mulf %gather3A_112, %get3A_475 : vector<16xf32>
        %add3A_490 = arith.addf %add3A_488, %mul3A_489 : vector<16xf32>
        %add3A_491 = arith.addf %add3A_490, %get3A_480 : vector<16xf32>
        %min3A_492 = arith.minimumf %min3A, %add3A_491 : vector<16xf32>
        %add3A_493 = arith.addf %add3A_491, %gather3A_117 : vector<16xf32>
        %min3A_494 = arith.minimumf %get3A_485, %add3A_493 : vector<16xf32>
        %mul3A_495 = arith.mulf %gather3A_122, %get3A_465 : vector<16xf32>
        %mul3A_496 = arith.mulf %gather3A_127, %get3A_470 : vector<16xf32>
        %add3A_497 = arith.addf %mul3A_495, %mul3A_496 : vector<16xf32>
        %mul3A_498 = arith.mulf %gather3A_132, %get3A_475 : vector<16xf32>
        %add3A_499 = arith.addf %add3A_497, %mul3A_498 : vector<16xf32>
        %add3A_500 = arith.addf %add3A_499, %get3A_480 : vector<16xf32>
        %min3A_501 = arith.minimumf %min3A_394, %add3A_500 : vector<16xf32>
        %add3A_502 = arith.addf %add3A_500, %gather3A_137 : vector<16xf32>
        %min3A_503 = arith.minimumf %min3A_494, %add3A_502 : vector<16xf32>
        %mul3A_504 = arith.mulf %gather3A_142, %get3A_465 : vector<16xf32>
        %mul3A_505 = arith.mulf %gather3A_147, %get3A_470 : vector<16xf32>
        %add3A_506 = arith.addf %mul3A_504, %mul3A_505 : vector<16xf32>
        %mul3A_507 = arith.mulf %gather3A_152, %get3A_475 : vector<16xf32>
        %add3A_508 = arith.addf %add3A_506, %mul3A_507 : vector<16xf32>
        %add3A_509 = arith.addf %add3A_508, %get3A_480 : vector<16xf32>
        %min3A_510 = arith.minimumf %min3A_403, %add3A_509 : vector<16xf32>
        %add3A_511 = arith.addf %add3A_509, %gather3A_157 : vector<16xf32>
        %min3A_512 = arith.minimumf %min3A_503, %add3A_511 : vector<16xf32>
        %mul3A_513 = arith.mulf %gather3A_162, %get3A_465 : vector<16xf32>
        %mul3A_514 = arith.mulf %gather3A_167, %get3A_470 : vector<16xf32>
        %add3A_515 = arith.addf %mul3A_513, %mul3A_514 : vector<16xf32>
        %mul3A_516 = arith.mulf %gather3A_172, %get3A_475 : vector<16xf32>
        %add3A_517 = arith.addf %add3A_515, %mul3A_516 : vector<16xf32>
        %add3A_518 = arith.addf %add3A_517, %get3A_480 : vector<16xf32>
        %min3A_519 = arith.minimumf %min3A_412, %add3A_518 : vector<16xf32>
        %add3A_520 = arith.addf %add3A_518, %gather3A_177 : vector<16xf32>
        %min3A_521 = arith.minimumf %min3A_512, %add3A_520 : vector<16xf32>
        %mul3A_522 = arith.mulf %gather3A_182, %get3A_465 : vector<16xf32>
        %mul3A_523 = arith.mulf %gather3A_187, %get3A_470 : vector<16xf32>
        %add3A_524 = arith.addf %mul3A_522, %mul3A_523 : vector<16xf32>
        %mul3A_525 = arith.mulf %gather3A_192, %get3A_475 : vector<16xf32>
        %add3A_526 = arith.addf %add3A_524, %mul3A_525 : vector<16xf32>
        %add3A_527 = arith.addf %add3A_526, %get3A_480 : vector<16xf32>
        %min3A_528 = arith.minimumf %min3A_421, %add3A_527 : vector<16xf32>
        %add3A_529 = arith.addf %add3A_527, %gather3A_197 : vector<16xf32>
        %min3A_530 = arith.minimumf %min3A_521, %add3A_529 : vector<16xf32>
        %mul3A_531 = arith.mulf %gather3A_202, %get3A_465 : vector<16xf32>
        %mul3A_532 = arith.mulf %gather3A_207, %get3A_470 : vector<16xf32>
        %add3A_533 = arith.addf %mul3A_531, %mul3A_532 : vector<16xf32>
        %mul3A_534 = arith.mulf %gather3A_212, %get3A_475 : vector<16xf32>
        %add3A_535 = arith.addf %add3A_533, %mul3A_534 : vector<16xf32>
        %add3A_536 = arith.addf %add3A_535, %get3A_480 : vector<16xf32>
        %min3A_537 = arith.minimumf %min3A_430, %add3A_536 : vector<16xf32>
        %add3A_538 = arith.addf %add3A_536, %gather3A_217 : vector<16xf32>
        %min3A_539 = arith.minimumf %min3A_530, %add3A_538 : vector<16xf32>
        %mul3A_540 = arith.mulf %gather3A_222, %get3A_465 : vector<16xf32>
        %mul3A_541 = arith.mulf %gather3A_227, %get3A_470 : vector<16xf32>
        %add3A_542 = arith.addf %mul3A_540, %mul3A_541 : vector<16xf32>
        %mul3A_543 = arith.mulf %gather3A_232, %get3A_475 : vector<16xf32>
        %add3A_544 = arith.addf %add3A_542, %mul3A_543 : vector<16xf32>
        %add3A_545 = arith.addf %add3A_544, %get3A_480 : vector<16xf32>
        %min3A_546 = arith.minimumf %min3A_439, %add3A_545 : vector<16xf32>
        %add3A_547 = arith.addf %add3A_545, %gather3A_237 : vector<16xf32>
        %min3A_548 = arith.minimumf %min3A_539, %add3A_547 : vector<16xf32>
        %mul3A_549 = arith.mulf %gather3A_242, %get3A_465 : vector<16xf32>
        %mul3A_550 = arith.mulf %gather3A_247, %get3A_470 : vector<16xf32>
        %add3A_551 = arith.addf %mul3A_549, %mul3A_550 : vector<16xf32>
        %mul3A_552 = arith.mulf %gather3A_252, %get3A_475 : vector<16xf32>
        %add3A_553 = arith.addf %add3A_551, %mul3A_552 : vector<16xf32>
        %add3A_554 = arith.addf %add3A_553, %get3A_480 : vector<16xf32>
        %min3A_555 = arith.minimumf %min3A_448, %add3A_554 : vector<16xf32>
        %add3A_556 = arith.addf %add3A_554, %gather3A_257 : vector<16xf32>
        %min3A_557 = arith.minimumf %min3A_548, %add3A_556 : vector<16xf32>
        %swap3A_558 = arith.constant 0 : i32
        %swap3A_559 = arith.index_cast %swap3A_558 : i32 to index
        %swap3A_560 = arith.index_cast %mul3A_460 : i32 to index
        %swap3A_561 = tpu.vector_load %arg8[%swap3A_559, %swap3A_560] {strides = array<i32>} : memref<1x8192xf32, #tpu.memory_space<vmem>>, vector<1x16xf32>,
        %swap3A_562 = vector.shape_cast %swap3A_561 : vector<1x16xf32> to vector<16xf32>
        %swap3A_563 = vector.shape_cast %min3A_557 : vector<16xf32> to vector<1x16xf32>
        tpu.vector_store %arg8[%swap3A_559, %swap3A_560], %swap3A_563 {strides = array<i32>} : memref<1x8192xf32, #tpu.memory_space<vmem>>, vector<1x16xf32>,
        scf.yield %min3A_492, %min3A_501, %min3A_510, %min3A_519, %min3A_528, %min3A_537, %min3A_546, %min3A_555 : vector<16xf32>, vector<16xf32>, vector<16xf32>, vector<16xf32>, vector<16xf32>, vector<16xf32>, vector<16xf32>, vector<16xf32>
      }
      %scan3A_263 = arith.constant 512 : i32
      %add3A_264 = arith.constant 0 : i32
      %add3A_265 = arith.addi %mul3A_41, %add3A_264 : i32
      %mul3A_266 = arith.constant 16 : i32
      %mul3A_267 = arith.muli %add3A_265, %mul3A_266 : i32
      %swap3A = arith.constant 0 : i32
      %swap3A_268 = arith.index_cast %swap3A : i32 to index
      %swap3A_269 = arith.index_cast %mul3A_267 : i32 to index
      %swap3A_270 = tpu.vector_load %arg9[%swap3A_268, %swap3A_269] {strides = array<i32>} : memref<1x256xf32, #tpu.memory_space<vmem>>, vector<1x16xf32>,
      %swap3A_271 = vector.shape_cast %swap3A_270 : vector<1x16xf32> to vector<16xf32>
      %swap3A_272 = vector.shape_cast %scan3A_262#0 : vector<16xf32> to vector<1x16xf32>
      tpu.vector_store %arg9[%swap3A_268, %swap3A_269], %swap3A_272 {strides = array<i32>} : memref<1x256xf32, #tpu.memory_space<vmem>>, vector<1x16xf32>,
      %add3A_273 = arith.constant 1 : i32
      %add3A_274 = arith.addi %mul3A_41, %add3A_273 : i32
      %mul3A_275 = arith.constant 16 : i32
      %mul3A_276 = arith.muli %add3A_274, %mul3A_275 : i32
      %swap3A_277 = arith.constant 0 : i32
      %swap3A_278 = arith.index_cast %swap3A_277 : i32 to index
      %swap3A_279 = arith.index_cast %mul3A_276 : i32 to index
      %swap3A_280 = tpu.vector_load %arg9[%swap3A_278, %swap3A_279] {strides = array<i32>} : memref<1x256xf32, #tpu.memory_space<vmem>>, vector<1x16xf32>,
      %swap3A_281 = vector.shape_cast %swap3A_280 : vector<1x16xf32> to vector<16xf32>
      %swap3A_282 = vector.shape_cast %scan3A_262#1 : vector<16xf32> to vector<1x16xf32>
      tpu.vector_store %arg9[%swap3A_278, %swap3A_279], %swap3A_282 {strides = array<i32>} : memref<1x256xf32, #tpu.memory_space<vmem>>, vector<1x16xf32>,
      %add3A_283 = arith.constant 2 : i32
      %add3A_284 = arith.addi %mul3A_41, %add3A_283 : i32
      %mul3A_285 = arith.constant 16 : i32
      %mul3A_286 = arith.muli %add3A_284, %mul3A_285 : i32
      %swap3A_287 = arith.constant 0 : i32
      %swap3A_288 = arith.index_cast %swap3A_287 : i32 to index
      %swap3A_289 = arith.index_cast %mul3A_286 : i32 to index
      %swap3A_290 = tpu.vector_load %arg9[%swap3A_288, %swap3A_289] {strides = array<i32>} : memref<1x256xf32, #tpu.memory_space<vmem>>, vector<1x16xf32>,
      %swap3A_291 = vector.shape_cast %swap3A_290 : vector<1x16xf32> to vector<16xf32>
      %swap3A_292 = vector.shape_cast %scan3A_262#2 : vector<16xf32> to vector<1x16xf32>
      tpu.vector_store %arg9[%swap3A_288, %swap3A_289], %swap3A_292 {strides = array<i32>} : memref<1x256xf32, #tpu.memory_space<vmem>>, vector<1x16xf32>,
      %add3A_293 = arith.constant 3 : i32
      %add3A_294 = arith.addi %mul3A_41, %add3A_293 : i32
      %mul3A_295 = arith.constant 16 : i32
      %mul3A_296 = arith.muli %add3A_294, %mul3A_295 : i32
      %swap3A_297 = arith.constant 0 : i32
      %swap3A_298 = arith.index_cast %swap3A_297 : i32 to index
      %swap3A_299 = arith.index_cast %mul3A_296 : i32 to index
      %swap3A_300 = tpu.vector_load %arg9[%swap3A_298, %swap3A_299] {strides = array<i32>} : memref<1x256xf32, #tpu.memory_space<vmem>>, vector<1x16xf32>,
      %swap3A_301 = vector.shape_cast %swap3A_300 : vector<1x16xf32> to vector<16xf32>
      %swap3A_302 = vector.shape_cast %scan3A_262#3 : vector<16xf32> to vector<1x16xf32>
      tpu.vector_store %arg9[%swap3A_298, %swap3A_299], %swap3A_302 {strides = array<i32>} : memref<1x256xf32, #tpu.memory_space<vmem>>, vector<1x16xf32>,
      %add3A_303 = arith.constant 4 : i32
      %add3A_304 = arith.addi %mul3A_41, %add3A_303 : i32
      %mul3A_305 = arith.constant 16 : i32
      %mul3A_306 = arith.muli %add3A_304, %mul3A_305 : i32
      %swap3A_307 = arith.constant 0 : i32
      %swap3A_308 = arith.index_cast %swap3A_307 : i32 to index
      %swap3A_309 = arith.index_cast %mul3A_306 : i32 to index
      %swap3A_310 = tpu.vector_load %arg9[%swap3A_308, %swap3A_309] {strides = array<i32>} : memref<1x256xf32, #tpu.memory_space<vmem>>, vector<1x16xf32>,
      %swap3A_311 = vector.shape_cast %swap3A_310 : vector<1x16xf32> to vector<16xf32>
      %swap3A_312 = vector.shape_cast %scan3A_262#4 : vector<16xf32> to vector<1x16xf32>
      tpu.vector_store %arg9[%swap3A_308, %swap3A_309], %swap3A_312 {strides = array<i32>} : memref<1x256xf32, #tpu.memory_space<vmem>>, vector<1x16xf32>,
      %add3A_313 = arith.constant 5 : i32
      %add3A_314 = arith.addi %mul3A_41, %add3A_313 : i32
      %mul3A_315 = arith.constant 16 : i32
      %mul3A_316 = arith.muli %add3A_314, %mul3A_315 : i32
      %swap3A_317 = arith.constant 0 : i32
      %swap3A_318 = arith.index_cast %swap3A_317 : i32 to index
      %swap3A_319 = arith.index_cast %mul3A_316 : i32 to index
      %swap3A_320 = tpu.vector_load %arg9[%swap3A_318, %swap3A_319] {strides = array<i32>} : memref<1x256xf32, #tpu.memory_space<vmem>>, vector<1x16xf32>,
      %swap3A_321 = vector.shape_cast %swap3A_320 : vector<1x16xf32> to vector<16xf32>
      %swap3A_322 = vector.shape_cast %scan3A_262#5 : vector<16xf32> to vector<1x16xf32>
      tpu.vector_store %arg9[%swap3A_318, %swap3A_319], %swap3A_322 {strides = array<i32>} : memref<1x256xf32, #tpu.memory_space<vmem>>, vector<1x16xf32>,
      %add3A_323 = arith.constant 6 : i32
      %add3A_324 = arith.addi %mul3A_41, %add3A_323 : i32
      %mul3A_325 = arith.constant 16 : i32
      %mul3A_326 = arith.muli %add3A_324, %mul3A_325 : i32
      %swap3A_327 = arith.constant 0 : i32
      %swap3A_328 = arith.index_cast %swap3A_327 : i32 to index
      %swap3A_329 = arith.index_cast %mul3A_326 : i32 to index
      %swap3A_330 = tpu.vector_load %arg9[%swap3A_328, %swap3A_329] {strides = array<i32>} : memref<1x256xf32, #tpu.memory_space<vmem>>, vector<1x16xf32>,
      %swap3A_331 = vector.shape_cast %swap3A_330 : vector<1x16xf32> to vector<16xf32>
      %swap3A_332 = vector.shape_cast %scan3A_262#6 : vector<16xf32> to vector<1x16xf32>
      tpu.vector_store %arg9[%swap3A_328, %swap3A_329], %swap3A_332 {strides = array<i32>} : memref<1x256xf32, #tpu.memory_space<vmem>>, vector<1x16xf32>,
      %add3A_333 = arith.constant 7 : i32
      %add3A_334 = arith.addi %mul3A_41, %add3A_333 : i32
      %mul3A_335 = arith.constant 16 : i32
      %mul3A_336 = arith.muli %add3A_334, %mul3A_335 : i32
      %swap3A_337 = arith.constant 0 : i32
      %swap3A_338 = arith.index_cast %swap3A_337 : i32 to index
      %swap3A_339 = arith.index_cast %mul3A_336 : i32 to index
      %swap3A_340 = tpu.vector_load %arg9[%swap3A_338, %swap3A_339] {strides = array<i32>} : memref<1x256xf32, #tpu.memory_space<vmem>>, vector<1x16xf32>,
      %swap3A_341 = vector.shape_cast %swap3A_340 : vector<1x16xf32> to vector<16xf32>
      %swap3A_342 = vector.shape_cast %scan3A_262#7 : vector<16xf32> to vector<1x16xf32>
      tpu.vector_store %arg9[%swap3A_338, %swap3A_339], %swap3A_342 {strides = array<i32>} : memref<1x256xf32, #tpu.memory_space<vmem>>, vector<1x16xf32>,
      %scan3A_343 = arith.constant 0 : i32
      scf.yield %scan3A_343 : i32
    }
    %scan3A_31 = arith.constant 2 : i32
    %mul3A_32 = arith.constant 16 : i32
    %mul3A_33 = arith.muli %mul3A_2, %mul3A_32 : i32
    %run_scoped3A_34 = arith.constant 0 : i32
    "tpu.region"() ({
      %run_scoped3A_38 = tpu.sem_alloc : memref<!tpu.dma_semaphore, #tpu.memory_space<semaphore_mem>>
      %dma_start3A = arith.constant 0 : i32
      %dma_start3A_39 = tpu.memref_slice %arg9[%run_scoped3A_34, %dma_start3A] : memref<1x256xf32, #tpu.memory_space<vmem>> -> memref<1x256xf32, #tpu.memory_space<vmem>>
      %dma_start3A_40 = tpu.memref_squeeze %dma_start3A_39 : memref<1x256xf32, #tpu.memory_space<vmem>> -> memref<256xf32, #tpu.memory_space<vmem>>
      %dma_start3A_41 = tpu.memref_slice %arg4[%mul3A_33] : memref<8192xf32, #tpu.memory_space<hbm>> -> memref<256xf32, #tpu.memory_space<hbm>>
      %dma_start3A_42 = tpu.memref_slice %arg4[%mul3A_33] : memref<8192xf32, #tpu.memory_space<hbm>> -> memref<256xf32, #tpu.memory_space<hbm>>
      %dma_start3A_43 = arith.constant 0 : i32
      %dma_start3A_44 = tpu.memref_slice %arg9[%run_scoped3A_34, %dma_start3A_43] : memref<1x256xf32, #tpu.memory_space<vmem>> -> memref<1x256xf32, #tpu.memory_space<vmem>>
      %dma_start3A_45 = tpu.memref_squeeze %dma_start3A_44 : memref<1x256xf32, #tpu.memory_space<vmem>> -> memref<256xf32, #tpu.memory_space<vmem>>
      tpu.enqueue_dma source(%dma_start3A_45 : memref<256xf32, #tpu.memory_space<vmem>>) target(%dma_start3A_42 : memref<256xf32, #tpu.memory_space<hbm>>) target_semaphore(%run_scoped3A_38 : memref<!tpu.dma_semaphore, #tpu.memory_space<semaphore_mem>>)
      %dma_wait3A = arith.constant 0 : i32
      %dma_wait3A_46 = tpu.memref_slice %arg9[%run_scoped3A_34, %dma_wait3A] : memref<1x256xf32, #tpu.memory_space<vmem>> -> memref<1x256xf32, #tpu.memory_space<vmem>>
      %dma_wait3A_47 = tpu.memref_squeeze %dma_wait3A_46 : memref<1x256xf32, #tpu.memory_space<vmem>> -> memref<256xf32, #tpu.memory_space<vmem>>
      %dma_wait3A_48 = tpu.memref_slice %arg4[%mul3A_33] : memref<8192xf32, #tpu.memory_space<hbm>> -> memref<256xf32, #tpu.memory_space<hbm>>
      %dma_wait3A_49 = tpu.memref_slice %arg4[%mul3A_33] : memref<8192xf32, #tpu.memory_space<hbm>> -> memref<256xf32, #tpu.memory_space<hbm>>
      %dma_wait3A_50 = arith.constant 0 : i32
      %dma_wait3A_51 = tpu.memref_slice %arg9[%run_scoped3A_34, %dma_wait3A_50] : memref<1x256xf32, #tpu.memory_space<vmem>> -> memref<1x256xf32, #tpu.memory_space<vmem>>
      %dma_wait3A_52 = tpu.memref_squeeze %dma_wait3A_51 : memref<1x256xf32, #tpu.memory_space<vmem>> -> memref<256xf32, #tpu.memory_space<vmem>>
      tpu.wait_dma2 semaphore(%run_scoped3A_38 : memref<!tpu.dma_semaphore, #tpu.memory_space<semaphore_mem>>) src(%dma_wait3A_52 : memref<256xf32, #tpu.memory_space<vmem>>) dst(%dma_wait3A_49 : memref<256xf32, #tpu.memory_space<hbm>>)
      tpu.yield
    }) : () -> ()
    %mul3A_35 = arith.constant 8192 : i32
    %mul3A_36 = arith.muli %add3A, %mul3A_35 : i32
    %run_scoped3A_37 = arith.constant 0 : i32
    "tpu.region"() ({
      %run_scoped3A_38 = tpu.sem_alloc : memref<!tpu.dma_semaphore, #tpu.memory_space<semaphore_mem>>
      %dma_start3A = arith.constant 0 : i32
      %dma_start3A_39 = tpu.memref_slice %arg8[%run_scoped3A_37, %dma_start3A] : memref<1x8192xf32, #tpu.memory_space<vmem>> -> memref<1x8192xf32, #tpu.memory_space<vmem>>
      %dma_start3A_40 = tpu.memref_squeeze %dma_start3A_39 : memref<1x8192xf32, #tpu.memory_space<vmem>> -> memref<8192xf32, #tpu.memory_space<vmem>>
      %dma_start3A_41 = tpu.memref_slice %arg5[%mul3A_36] : memref<262144xf32, #tpu.memory_space<hbm>> -> memref<8192xf32, #tpu.memory_space<hbm>>
      %dma_start3A_42 = tpu.memref_slice %arg5[%mul3A_36] : memref<262144xf32, #tpu.memory_space<hbm>> -> memref<8192xf32, #tpu.memory_space<hbm>>
      %dma_start3A_43 = arith.constant 0 : i32
      %dma_start3A_44 = tpu.memref_slice %arg8[%run_scoped3A_37, %dma_start3A_43] : memref<1x8192xf32, #tpu.memory_space<vmem>> -> memref<1x8192xf32, #tpu.memory_space<vmem>>
      %dma_start3A_45 = tpu.memref_squeeze %dma_start3A_44 : memref<1x8192xf32, #tpu.memory_space<vmem>> -> memref<8192xf32, #tpu.memory_space<vmem>>
      tpu.enqueue_dma source(%dma_start3A_45 : memref<8192xf32, #tpu.memory_space<vmem>>) target(%dma_start3A_42 : memref<8192xf32, #tpu.memory_space<hbm>>) target_semaphore(%run_scoped3A_38 : memref<!tpu.dma_semaphore, #tpu.memory_space<semaphore_mem>>)
      %dma_wait3A = arith.constant 0 : i32
      %dma_wait3A_46 = tpu.memref_slice %arg8[%run_scoped3A_37, %dma_wait3A] : memref<1x8192xf32, #tpu.memory_space<vmem>> -> memref<1x8192xf32, #tpu.memory_space<vmem>>
      %dma_wait3A_47 = tpu.memref_squeeze %dma_wait3A_46 : memref<1x8192xf32, #tpu.memory_space<vmem>> -> memref<8192xf32, #tpu.memory_space<vmem>>
      %dma_wait3A_48 = tpu.memref_slice %arg5[%mul3A_36] : memref<262144xf32, #tpu.memory_space<hbm>> -> memref<8192xf32, #tpu.memory_space<hbm>>
      %dma_wait3A_49 = tpu.memref_slice %arg5[%mul3A_36] : memref<262144xf32, #tpu.memory_space<hbm>> -> memref<8192xf32, #tpu.memory_space<hbm>>
      %dma_wait3A_50 = arith.constant 0 : i32
      %dma_wait3A_51 = tpu.memref_slice %arg8[%run_scoped3A_37, %dma_wait3A_50] : memref<1x8192xf32, #tpu.memory_space<vmem>> -> memref<1x8192xf32, #tpu.memory_space<vmem>>
      %dma_wait3A_52 = tpu.memref_squeeze %dma_wait3A_51 : memref<1x8192xf32, #tpu.memory_space<vmem>> -> memref<8192xf32, #tpu.memory_space<vmem>>
      tpu.wait_dma2 semaphore(%run_scoped3A_38 : memref<!tpu.dma_semaphore, #tpu.memory_space<semaphore_mem>>) src(%dma_wait3A_52 : memref<8192xf32, #tpu.memory_space<vmem>>) dst(%dma_wait3A_49 : memref<8192xf32, #tpu.memory_space<hbm>>)
      tpu.yield
    }) : () -> ()
    return
  }
}

module attributes {stable_mosaic.version = 14 : i64} {
  func.func @_tc_body(%arg0: memref<7680x8xbf16, #tpu.memory_space<vmem>>, %arg1: memref<8x8192xbf16, #tpu.memory_space<vmem>>, %arg2: memref<1x1xf32, #tpu.memory_space<smem>>, %arg3: memref<1x8192xf32, #tpu.memory_space<vmem>>) attributes {dimension_semantics = [], scalar_prefetch = 0 : i64, scratch_operands = 0 : i64, tpu.core_type = #tpu.core_type<tc>} {
    %broadcast_in_dim3A = arith.constant 0x7F800000 : f32
    %broadcast_in_dim3A_0 = vector.broadcast %broadcast_in_dim3A : f32 to vector<1x8192xf32>
    %swap3A = arith.constant 0 : index
    %swap3A_1 = arith.constant 0 : index
    %swap3A_2 = vector.load %arg3[%swap3A, %swap3A_1] : memref<1x8192xf32, #tpu.memory_space<vmem>>, vector<1x8192xf32>
    tpu.vector_store %arg3[%swap3A, %swap3A_1], %broadcast_in_dim3A_0 {strides = array<i32>} : memref<1x8192xf32, #tpu.memory_space<vmem>>, vector<1x8192xf32>,
    %scan3A = arith.constant 0.000000e+00 : f32
    %scan3A_3 = arith.constant 0 : i32
    %scan3A_4 = arith.constant 15 : i32
    %scan3A_5 = arith.addi %scan3A_3, %scan3A_4 : i32
    %scan3A_6 = arith.constant 1 : i32
    %scan3A_7 = scf.for %scan3A_12 = %scan3A_3 to %scan3A_5 step %scan3A_6 iter_args(%scan3A_13 = %scan3A) -> (f32)  : i32 {
      %mul3A = arith.constant 512 : i32
      %mul3A_14 = arith.muli %scan3A_12, %mul3A : i32
      %get3A = arith.index_cast %mul3A_14 : i32 to index
      %get3A_15 = arith.constant 0 : index
      %get3A_16 = vector.load %arg0[%get3A, %get3A_15] : memref<7680x8xbf16, #tpu.memory_space<vmem>>, vector<512x8xbf16>
      %get3A_17 = arith.constant 0 : index
      %get3A_18 = arith.constant 0 : index
      %get3A_19 = vector.load %arg1[%get3A_17, %get3A_18] : memref<8x8192xbf16, #tpu.memory_space<vmem>>, vector<8x8192xbf16>
      %dot_general3A = arith.constant dense<0.000000e+00> : vector<512x8192xf32>
      %dot_general3A_20 = tpu.matmul %get3A_16, %get3A_19, %dot_general3A {dimension_numbers = #tpu.dot_dimension_numbers<[1], [0], [0], [1], [0, 0, 1, 1], [], []>, transpose_lhs_hint = false} : vector<512x8xbf16>, vector<8x8192xbf16>, vector<512x8192xf32> -> vector<512x8192xf32>
      %get3A_21 = arith.constant 0 : index
      %get3A_22 = arith.constant 0 : index
      %get3A_23 = vector.load %arg3[%get3A_21, %get3A_22] : memref<1x8192xf32, #tpu.memory_space<vmem>>, vector<1x8192xf32>
      %reduce_min3A = arith.constant dense<0x7F800000> : vector<8192xf32>
      %reduce_min3A_24 = vector.multi_reduction <minimumf>, %dot_general3A_20, %reduce_min3A [0] : vector<512x8192xf32> to vector<8192xf32>
      %broadcast_in_dim3A_25 = vector.shape_cast %reduce_min3A_24 : vector<8192xf32> to vector<1x8192xf32>
      %min3A = arith.minimumf %get3A_23, %broadcast_in_dim3A_25 : vector<1x8192xf32>
      %swap3A_26 = arith.constant 0 : index
      %swap3A_27 = arith.constant 0 : index
      %swap3A_28 = vector.load %arg3[%swap3A_26, %swap3A_27] : memref<1x8192xf32, #tpu.memory_space<vmem>>, vector<1x8192xf32>
      tpu.vector_store %arg3[%swap3A_26, %swap3A_27], %min3A {strides = array<i32>} : memref<1x8192xf32, #tpu.memory_space<vmem>>, vector<1x8192xf32>,
      %reduce_min3A_29 = arith.constant dense<0x7F800000> : vector<512xf32>
      %reduce_min3A_30 = vector.multi_reduction <minimumf>, %dot_general3A_20, %reduce_min3A_29 [1] : vector<512x8192xf32> to vector<512xf32>
      %broadcast_in_dim3A_31 = vector.shape_cast %reduce_min3A_30 : vector<512xf32> to vector<512x1xf32>
      %max3A = arith.constant 0.000000e+00 : f32
      %max3A_32 = vector.broadcast %max3A : f32 to vector<512x1xf32>
      %max3A_33 = arith.maximumf %broadcast_in_dim3A_31, %max3A_32 : vector<512x1xf32>
      %sqrt3A = math.sqrt %max3A_33 : vector<512x1xf32>
      %reduce_sum3A = vector.shape_cast %sqrt3A : vector<512x1xf32> to vector<1x512x1xf32>
      %reduce_sum3A_34 = arith.constant dense<0.000000e+00> : vector<1xf32>
      %reduce_sum3A_35 = vector.multi_reduction <add>, %reduce_sum3A, %reduce_sum3A_34 [1, 2] : vector<1x512x1xf32> to vector<1xf32>
      %reduce_sum3A_36 = vector.shape_cast %reduce_sum3A_35 : vector<1xf32> to vector<1x1x1xf32>
      %reduce_sum3A_37 = vector.extract %reduce_sum3A_36[0, 0, 0] : f32 from vector<1x1x1xf32>
      %add3A = arith.addf %scan3A_13, %reduce_sum3A_37 : f32
      scf.yield %add3A : f32
    }
    %scan3A_8 = arith.constant 15 : i32
    %swap3A_9 = arith.constant 0 : index
    %swap3A_10 = arith.constant 0 : index
    %swap3A_11 = memref.load %arg2[%swap3A_9, %swap3A_10] : memref<1x1xf32, #tpu.memory_space<smem>>
    memref.store %scan3A_7, %arg2[%swap3A_9, %swap3A_10] : memref<1x1xf32, #tpu.memory_space<smem>>
    return
  }
}

module attributes {stable_mosaic.version = 14 : i64} {
  func.func @_combine_body(%arg0: memref<1x1xf32, #tpu.memory_space<smem>>, %arg1: memref<1x8192xf32, #tpu.memory_space<vmem>>, %arg2: memref<512x16xf32, #tpu.memory_space<vmem>>, %arg3: memref<512x1xf32, #tpu.memory_space<vmem>>, %arg4: memref<32x8192xf32, #tpu.memory_space<vmem>>, %arg5: memref<1x1xf32, #tpu.memory_space<smem>>) attributes {dimension_semantics = [], scalar_prefetch = 0 : i64, scratch_operands = 0 : i64, tpu.core_type = #tpu.core_type<tc>} {
    %get3A = arith.constant 0 : index
    %get3A_0 = arith.constant 0 : index
    %get3A_1 = vector.load %arg2[%get3A, %get3A_0] : memref<512x16xf32, #tpu.memory_space<vmem>>, vector<512x16xf32>
    %reduce_min3A = arith.constant dense<0x7F800000> : vector<512xf32>
    %reduce_min3A_2 = vector.multi_reduction <minimumf>, %get3A_1, %reduce_min3A [1] : vector<512x16xf32> to vector<512xf32>
    %broadcast_in_dim3A = vector.shape_cast %reduce_min3A_2 : vector<512xf32> to vector<512x1xf32>
    %get3A_3 = arith.constant 0 : index
    %get3A_4 = arith.constant 0 : index
    %get3A_5 = vector.load %arg3[%get3A_3, %get3A_4] : memref<512x1xf32, #tpu.memory_space<vmem>>, vector<512x1xf32>
    %add3A = arith.addf %broadcast_in_dim3A, %get3A_5 : vector<512x1xf32>
    %max3A = arith.constant 0.000000e+00 : f32
    %max3A_6 = vector.broadcast %max3A : f32 to vector<512x1xf32>
    %max3A_7 = arith.maximumf %add3A, %max3A_6 : vector<512x1xf32>
    %get3A_8 = arith.constant 0 : index
    %get3A_9 = arith.constant 0 : index
    %get3A_10 = memref.load %arg0[%get3A_8, %get3A_9] : memref<1x1xf32, #tpu.memory_space<smem>>
    %sqrt3A = math.sqrt %max3A_7 : vector<512x1xf32>
    %reduce_sum3A = vector.shape_cast %sqrt3A : vector<512x1xf32> to vector<1x512x1xf32>
    %reduce_sum3A_11 = arith.constant dense<0.000000e+00> : vector<1xf32>
    %reduce_sum3A_12 = vector.multi_reduction <add>, %reduce_sum3A, %reduce_sum3A_11 [1, 2] : vector<1x512x1xf32> to vector<1xf32>
    %reduce_sum3A_13 = vector.shape_cast %reduce_sum3A_12 : vector<1xf32> to vector<1x1x1xf32>
    %reduce_sum3A_14 = vector.extract %reduce_sum3A_13[0, 0, 0] : f32 from vector<1x1x1xf32>
    %add3A_15 = arith.addf %get3A_10, %reduce_sum3A_14 : f32
    %get3A_16 = arith.constant 0 : index
    %get3A_17 = arith.constant 0 : index
    %get3A_18 = vector.load %arg1[%get3A_16, %get3A_17] : memref<1x8192xf32, #tpu.memory_space<vmem>>, vector<1x8192xf32>
    %get3A_19 = arith.constant 0 : index
    %get3A_20 = arith.constant 0 : index
    %get3A_21 = vector.load %arg4[%get3A_19, %get3A_20] : memref<32x8192xf32, #tpu.memory_space<vmem>>, vector<32x8192xf32>
    %reduce_min3A_22 = arith.constant dense<0x7F800000> : vector<8192xf32>
    %reduce_min3A_23 = vector.multi_reduction <minimumf>, %get3A_21, %reduce_min3A_22 [0] : vector<32x8192xf32> to vector<8192xf32>
    %broadcast_in_dim3A_24 = vector.shape_cast %reduce_min3A_23 : vector<8192xf32> to vector<1x8192xf32>
    %min3A = arith.minimumf %get3A_18, %broadcast_in_dim3A_24 : vector<1x8192xf32>
    %max3A_25 = arith.constant 0.000000e+00 : f32
    %max3A_26 = vector.broadcast %max3A_25 : f32 to vector<1x8192xf32>
    %max3A_27 = arith.maximumf %min3A, %max3A_26 : vector<1x8192xf32>
    %sqrt3A_28 = math.sqrt %max3A_27 : vector<1x8192xf32>
    %reduce_sum3A_29 = vector.shape_cast %sqrt3A_28 : vector<1x8192xf32> to vector<1x1x8192xf32>
    %reduce_sum3A_30 = arith.constant dense<0.000000e+00> : vector<1xf32>
    %reduce_sum3A_31 = vector.multi_reduction <add>, %reduce_sum3A_29, %reduce_sum3A_30 [1, 2] : vector<1x1x8192xf32> to vector<1xf32>
    %reduce_sum3A_32 = vector.shape_cast %reduce_sum3A_31 : vector<1xf32> to vector<1x1x1xf32>
    %reduce_sum3A_33 = vector.extract %reduce_sum3A_32[0, 0, 0] : f32 from vector<1x1x1xf32>
    %add3A_34 = arith.addf %add3A_15, %reduce_sum3A_33 : f32
    %div3A = arith.constant 8.192000e+03 : f32
    %div3A_35 = arith.divf %add3A_34, %div3A : f32
    %swap3A = arith.constant 0 : index
    %swap3A_36 = arith.constant 0 : index
    %swap3A_37 = memref.load %arg5[%swap3A, %swap3A_36] : memref<1x1xf32, #tpu.memory_space<smem>>
    memref.store %div3A_35, %arg5[%swap3A, %swap3A_36] : memref<1x1xf32, #tpu.memory_space<smem>>
    return
  }
}

</mosaic_0001>

<sc_bundles>
// kernel: kernel.5.cloned.1.call-start
scs
__scs_entry_jumppad:
0x0: {  	(pc) =	sbr.rel $0x88, $3  }
0x1: {  	(tag) =	ssettag $0x0;
	lr =	simm.s32 $0x1  }
0x2: {  	[smem:$0x3F9F] =	sst lr;
	_ =	strace $0xD0000000  }
0x3: {  	_ = 	snop  }
0x4: {  	_ = 	snop  }
0x5: {  	_ = 	snop  }
0x6: {  	_ = 	snop  }
0x7: {  	_ = 	snop  }
__scs_overlays_trampoline_lowered:
0x8: {  	[smem:$0x3FAE] =	sst s0  }
0x9: {  	[smem:$0x3FAF] =	sst s1  }
0xa: {  	[smem:$0x3FB0] =	sst s2  }
0xb: {  	[smem:$0x3FB1] =	sst s3  }
0xc: {  	[smem:$0x3FB2] =	sst s4  }
0xd: {  	[smem:$0x3FB3] =	sst s5  }
0xe: {  	[smem:$0x3FB4] =	sst s6  }
0xf: {  	[smem:$0x3FB5] =	sst s7  }
0x10: {  	[smem:$0x3FB6] =	sst s8  }
0x11: {  	[smem:$0x3FB7] =	sst s9;
	s0 =	simm.s32 @!p0 $0x0  }
0x12: {  	s1 =	sld [smem:$0x3F9D];
	s0 =	simm.s32 @p0 $0x1  }
0x13: {  	[smem:$0x3FB8] =	sst s0;
	s0 =	simm.s32 @!p1 $0x0  }
0x14: {  	s2 =	sld [smem:$0x3F9C];
	s0 =	simm.s32 @p1 $0x1  }
0x15: {  	[smem:$0x3FB9] =	sst s0;
	s0 =	simm.s32 @!p2 $0x0  }
0x16: {  	s3 =	sld [smem:$0x3FDB];
	s0 =	simm.s32 @p2 $0x1  }
0x17: {  	s4 =	simm.s32 $0x1BF5;
	[smem:$0x3FBB] =	sst s0  }
0x18: {  	s0 =	sld [smem:$0x3F9E];
	_ =	swait.ge [sflag:s4], $0x0  }
0x19: {  	s7 =	sld [smem:$0x3F9F]  }
0x1a: {  	s8 =	sadd.s32 $0xFFFFE003, lr  }
0x1b: {  	s9 =	sadd.s32 $0xFFFFFEF7, lr;
	s5 =	simm.s32 $0xFFFFFFFF;
	p2 =	slt.u32 s8, $0xFFFFF086  }
0x1c: {  	p1 =	slt.u32 s9, $0xF7A;
	s5 =	simm.s32 @!p2 $0x0  }
0x1d: {  	s5 =	simm.s32 @p1 $0x1;
	p0 =	seq.s32 s7, s2  }
0x1e: {  	s7 =	smul.u32 @!p0 $0xF7A, s2;
	p2 =	seq.s32 @!p0 s5, $0x0  }
0x1f: {  	s9 =	smul.u32 $0xF7A, s1;
	s8 =	simm.s32 @!p0 $0x1BF5;
	p2 =	por !p2, p0  }
0x20: {  	[sflag:s8] =	ssyncset.s32 @!p0 $0xFFFFF086;
	s6 =	sadd.s32 @!p0 s3, s7;
	s7 =	simm.s32 @!p0 $0x108  }
0x21: {  	s3 =	sadd.s32 s3, s9;
	s6 =	sadd.s32 @!p0 $0x88, s6;
	s7 =	simm.s32 @p2 $0x1082  }
0x22: {  	[simem:s7], [sflag:s8] =	dma.local @!p0 [hbm:s6], $0xF7A  }
0x23: {  	s9 =	sor.u32 $0xD0000000, s2;
	s6 =	simm.s32 $0x108;
	_ =	swait.ge @!p0 [sflag:s8], $0x0  }
0x24: {  	s3 =	sadd.s32 $0x88, s3;
	s6 =	simm.s32 @!p1 $0x1082;
	[sflag:s4] =	ssyncset.s32 $0xFFFFF086  }
0x25: {  	[simem:s6], [sflag:s4] =	dma.local [hbm:s3], $0xF7A  }
0x26: {  	[smem:$0x3F9F] =	sst s1;
	(tag) =	ssettag s2;
	_ =	strace s9  }
0x27: {  	s1 =	sld [smem:$0x3FAF]  }
0x28: {  	s2 =	sld [smem:$0x3FB0]  }
0x29: {  	s4 =	sld [smem:$0x3FB2]  }
0x2a: {  	p0 =	seq.s32 s5, $0x0;
	s5 =	sld [smem:$0x3FB3]  }
0x2b: {  	s6 =	sld [smem:$0x3FB4]  }
0x2c: {  	s7 =	sld [smem:$0x3FB5]  }
0x2d: {  	s3 =	simm.s32 $0x108;
	s8 =	sld [smem:$0x3FB6]  }
0x2e: {  	s3 =	simm.s32 @!p0 $0x1082;
	s9 =	sld [smem:$0x3FB7]  }
0x2f: {  	lr =	sadd.s32 s0, s3;
	s0 =	sld [smem:$0x3FAE]  }
0x30: {  	s3 =	sld [smem:$0x3FB1]  }
0x31: {  	[smem:$0x3FBA] =	sst s10  }
0x32: {  	s10 =	sld [smem:$0x3FB8];
	_ =	sdelay $0x3  }
0x33: {  	p0 =	seq.s32 s10, $0x1;
	s10 =	sld [smem:$0x3FBA];
	_ =	sdelay $0x3  }
0x34: {  	[smem:$0x3FBA] =	sst s10  }
0x35: {  	s10 =	sld [smem:$0x3FB9];
	_ =	sdelay $0x3  }
0x36: {  	p1 =	seq.s32 s10, $0x1;
	s10 =	sld [smem:$0x3FBA];
	_ =	sdelay $0x3  }
0x37: {  	[smem:$0x3FBA] =	sst s10  }
0x38: {  	s10 =	sld [smem:$0x3FBB]  }
0x39: {  	_ = 	snop;
	(pc) =	sbr.ind lr, $3  }
0x3a: {  	_ = 	snop  }
0x3b: {  	_ = 	snop  }
0x3c: {  	p2 =	seq.s32 s10, $0x1;
	s10 =	sld [smem:$0x3FBA]  }
0x3d: {  	_ =	shalt  }
0x3e: {  	_ =	shalt  }
0x3f: {  	_ =	shalt  }
0x40: {  	_ =	shalt  }
0x41: {  	_ =	shalt  }
0x42: {  	_ =	shalt  }
0x43: {  	_ =	shalt  }
0x44: {  	_ =	shalt  }
0x45: {  	_ =	shalt  }
0x46: {  	_ =	shalt  }
0x47: {  	_ =	shalt  }
0x48: {  	_ =	shalt  }
0x49: {  	_ =	shalt  }
0x4a: {  	_ =	shalt  }
0x4b: {  	_ =	shalt  }
0x4c: {  	_ =	shalt  }
0x4d: {  	_ =	shalt  }
0x4e: {  	_ =	shalt  }
0x4f: {  	_ =	shalt  }
0x50: {  	_ =	shalt  }
0x51: {  	_ =	shalt  }
0x52: {  	_ =	shalt  }
0x53: {  	_ =	shalt  }
0x54: {  	_ =	shalt  }
0x55: {  	_ =	shalt  }
0x56: {  	_ =	shalt  }
0x57: {  	_ =	shalt  }
0x58: {  	_ =	shalt  }
0x59: {  	_ =	shalt  }
0x5a: {  	_ =	shalt  }
0x5b: {  	_ =	shalt  }
0x5c: {  	_ =	shalt  }
0x5d: {  	_ =	shalt  }
0x5e: {  	_ =	shalt  }
0x5f: {  	_ =	shalt  }
0x60: {  	_ =	shalt  }
0x61: {  	_ =	shalt  }
0x62: {  	_ =	shalt  }
0x63: {  	_ =	shalt  }
0x64: {  	_ =	shalt  }
0x65: {  	_ =	shalt  }
0x66: {  	_ =	shalt  }
0x67: {  	_ =	shalt  }
0x68: {  	_ =	shalt  }
0x69: {  	_ =	shalt  }
0x6a: {  	_ =	shalt  }
0x6b: {  	_ =	shalt  }
0x6c: {  	_ =	shalt  }
0x6d: {  	_ =	shalt  }
0x6e: {  	_ =	shalt  }
0x6f: {  	_ =	shalt  }
0x70: {  	_ =	shalt  }
0x71: {  	_ =	shalt  }
0x72: {  	_ =	shalt  }
0x73: {  	_ =	shalt  }
0x74: {  	_ =	shalt  }
0x75: {  	_ =	shalt  }
0x76: {  	_ =	shalt  }
0x77: {  	_ =	shalt  }
0x78: {  	_ =	shalt  }
0x79: {  	_ =	shalt  }
0x7a: {  	_ =	shalt  }
0x7b: {  	_ =	shalt  }
0x7c: {  	_ =	shalt  }
0x7d: {  	_ =	shalt  }
0x7e: {  	_ =	shalt  }
0x7f: {  	_ =	shalt  }
0x80: {  	_ =	shalt  }
0x81: {  	_ =	shalt  }
0x82: {  	_ =	shalt  }
0x83: {  	_ =	shalt  }
0x84: {  	_ =	shalt  }
0x85: {  	_ =	shalt  }
0x86: {  	_ =	shalt  }
0x87: {  	_ =	shalt  }
.Lfunc_end0:
.L_simem_size_0:
called_computation_lowered:
.L_overlay_start_0:
0x88: {  	s2 =	sld [smem:$0x3FD9]  }
0x89: {  	s3 =	sld [smem:$0x3FFE];
	_ =	sdelay $0x1  }
0x8a: {  	s1 =	srdreg.scid  }
0x8b: {  	s0 =	sand.u32 $0x1, s1  }
0x8c: {  	s16 =	sshll.u32 s0, $0xA;
	s2 =	sadd.s32 s3, s2  }
0x8d: {  	s2 =	sadd.s32 s2, s16  }
0x8e: {  	[smem:$0x3FC6] =	sst s2  }
0x8f: {  	_ = 	snop  }
0x90: {  	(tm) =	ssettm $0x1  }
0x91: {  	s17 =	sld [smem:$0x3FFB];
	_ =	sdelay $0x3  }
0x92: {  	_ =	strace s17  }
0x93: {  	s2 =	sld [smem:$0x3FFC];
	_ =	sdelay $0x3  }
0x94: {  	_ =	strace s2  }
0x95: {  	s2 =	sld [smem:$0x3FFD];
	_ =	sdelay $0x3  }
0x96: {  	_ =	strace s2  }
0x97: {  	_ =	strace $0x8FFFFFFF  }
0x98: {  	s18 =	sld [smem:$0x3FDB];
	_ =	sdelay $0x1  }
0x99: {  	s19 =	simm.s32 $_scs_section_size  }
0x9a: {  	s4 =	simm.s32 $_size__tile_overlayer_lowered;
	s5 =	simm.s32 $_tile_overlayer_lowered  }
0x9b: {  	s22 =	simm.s32 $0x1BFF;
	s21 =	sshll.u32 s5, $0x1;
	s2 =	sadd.s32 s19, s18  }
0x9c: {  	s6 =	simm.s32 $0x0;
	s20 =	sshll.u32 s4, $0x1;
	s4 =	sadd.s32 s21, s2  }
0x9d: {  	[timem:s6], [sflag:s22] =	dma.local [hbm:s4], s20  }
0x9e: {  	_ =	swait.ge [sflag:s22], s20  }
0x9f: {  	s3 =	ssub.s32 $0x0, s20;
	[sflag:s22] =	ssyncset.done $0x0  }
0xa0: {  	[sflag:s22] =	ssyncadd.s32 s3;
	_ =	sdelay $0x1  }
0xa1: {  	s23 =	simm.s32 $0x1B8B  }
0xa2: {  	_ =	swait.ge [sflag:s23], $0x1  }
0xa3: {  	[sflag:s23] =	ssyncset.done $0x0  }
0xa4: {  	s25 =	simm.s32 $0x1B8E;
	s24 =	sld [smem:$0x3FFE];
	[sflag:s23] =	ssyncadd.s32 $0xFFFFFFFF  }
0xa5: {  	s26 =	simm.s32 $execute0_lowered;
	[smem:$0x3FD2] =	sst s25  }
0xa6: {  	s4 =	sshll.u32 s26, $0x1;
	_ =	strace $0x80000046;
	[dreg:$0x1] =	wrdreg $0xFFFFFFFF  }
0xa7: {  	s28 =	simm.s32 $_size_execute0_lowered;
	s2 =	sadd.s32 s2, s4;
	[dreg:$0x0] =	wrdreg $0x0  }
0xa8: {  	s4 =	sshll.u32 s28, $0x1;
	[dreg:$0x2] =	wrdreg s2  }
0xa9: {  	[dreg:$0x3] =	wrdreg s4  }
0xaa: {  	[dreg:$0x4] =	wrdreg $0xC0  }
0xab: {  	_ =	task [dreg:s6], $0x5FFFF  }
0xac: {  	[dreg:$0x1] =	wrdreg $0xFFFFFFFF  }
0xad: {  	[dreg:$0x0] =	wrdreg $0x60  }
0xae: {  	[dreg:$0x2] =	wrdreg s24  }
0xaf: {  	[dreg:$0x3] =	wrdreg $0x9  }
0xb0: {  	_ =	task.clear_ibuf [dreg:s6], $0x4FFFF;
	_ =	strace $0x90000046  }
0xb1: {  	s29 =	simm.s32 $0x9;
	_ =	strace $0x80000048  }
0xb2: {  	_ =	swait.ge [sflag:s29], $0x1  }
0xb3: {  	[sflag:s29] =	ssyncadd.s32 $0xFFFFFFFF  }
0xb4: {  	_ =	strace $0x90000048  }
0xb5: {  	_ =	sfence  }
0xb6: {  	s30 =	sld [smem:$0x0];
	_ =	sdelay $0x2  }
0xb7: {  	s31 =	sshll.u32 s1, $0xD;
	s1 =	sshrl.u32 s1, $0x2  }
0xb8: {  	s3 =	sand.u32 $0x4000, s31;
	s1 =	sadd.s32 s1, s30  }
0xb9: {  	s0 =	sor.u32 s3, s0;
	s1 =	sshll.u32 s1, $0x11  }
0xba: {  	s0 =	sor.u32 s1, s0  }
0xbb: {  	s0 =	sadd.s32 $0x8F2B, s0  }
0xbc: {  	[sflag:s0] =	ssyncadd.remote.s32 $0x1  }
0xbd: {  	_ =	sfence.sel $0xFFFF  }
0xbe: {  	[dreg:$0x0] =	wrdreg $0xFFFFFFFF;
	(pc) =	sbr.abs _section_cstart, $3  }
0xbf: {  	[dreg:$0x1] =	wrdreg $0xFFFFFFFF  }
0xc0: {  	_ =	task.clear_ibuf [dreg:s6], $0x2FFFF;
	_ =	strace $0x9FFFFFFF  }
0xc1: {  	(tm) =	ssettm $0x7FFFFFFF  }
tec
execute0_lowered:
.L_overlay_start_1:
0x0: {  	(tag) =	ssettag $0x1  }
0x1: {  	s1 =	srdreg.scid  }
0x2: {  	s0 =	stileid.u32;
	s10 =	rddreg [dreg:$0x0];
	s2 =	simm.s32 $0x0  }
0x3: {  	s14 =	simm.s32 $0x1;
	s15 =	simm.s32 $0x80;
	s16 =	simm.s32 $0x100  }
0x4: {  	s17 =	simm.s32 $0x180;
	s18 =	simm.s32 $0xA200;
	s19 =	simm.s32 $0x8200  }
0x5: {  	s20 =	simm.s32 $0x0;
	s4 =	sand.u32 $0x1, s1;
	s1 =	rddreg [dreg:$0x1]  }
0x6: {  	s3 =	sshll.u32 s0, $0x1;
	[smem:$0x7FF] =	sst s2;
	s8 =	sadd.s32 $0x1400, s10  }
0x7: {  	s5 =	sor.u32 s4, s3;
	_ =	strace $0x80000047;
	s4 =	ssub.s32 $0x2, s4  }
0x8: {  	s3 =	sshll.u32 s5, $0x1;
	s6 =	sshll.u32 s5, $0x5;
	s5 =	sshll.u32 s5, $0xA  }
0x9: {  	s31 =	sshrl.u32 s4, $0x1;
	s9 =	sadd.s32 s3, s10;
	s3 =	sadd.s32 $0xC00, s10  }
0xa: {  	s11 =	sadd.s32 s6, s10;
	s12 =	sadd.s32 s5, s10;
	s13 =	ssub.s32 s4, s31  }
0xb: {  	s6 =	sadd.s32 $0x1000, s10;
	s10 =	sadd.s32 $0x1800, s10;
	s4 =	sadd.s32 $0xA00, s9  }
0xc: {  	s5 =	sadd.s32 $0xA40, s9;
	s7 =	sadd.s32 $0xA80, s9;
	s9 =	sadd.s32 $0xAC0, s9  }
0xd: {  	v0 =	vimm.f32 $+Inf;
	s11 =	sadd.s32 $0x9C00, s11;
	s12 =	sadd.s32 $0x1C00, s12;
	s13 =	smax.u32 s13, $0x1  }
.LBB2_1:
0xe: {  	[tilespmem:s2], [sflag:$0x1] =	stream.linear.gather [hbm4b:s4+s2], $0x10, $0x38;
	[tilespmem:$0xA300] =	vst v63  }
0xf: {  	_ =	swait.ge [sflag:s14], $0x10  }
0x10: {  	s21 =	simm.s32 $0x200;
	s22 =	simm.s32 $0x10;
	[sflag:s14] =	ssyncset.done $0x0  }
0x11: {  	s24 =	sadd.s32 $0x0, s3;
	s23 =	simm.s32 $0x400;
	[sflag:s14] =	ssyncadd.s32 $0xFFFFFFF0  }
.LBB2_2:
0x12: {  	[tilespmem:s21], [sflag:$0x1] =	stream.linear.gather [hbm4b:s24+s2], $0x80, $0x38;
	[tilespmem:$0xA300] =	vst v63  }
0x13: {  	s24 =	smov.u32 s22;
	s21 =	smov.u32 s23;
	p0 =	sne.s32 s22, $0x3F0  }
.Ltmp0:
0x14: {  	s22 =	sadd.s32 $0x10, s22;
	(pc) =	sbr.rel @p0 .LBB2_2-.Ltmp0, $2  }
0x15: {  	_ =	sdelay $0x2  }
0x16: {  	s23 =	sadd.s32 $0x200, s23;
	s24 =	sadd.s32 s24, s3  }
0x17: {  	[tilespmem:s21], [sflag:$0x1] =	stream.linear.gather [hbm4b:s24+s2], $0x80, $0x38;
	[tilespmem:$0xA300] =	vst v63  }
0x18: {  	_ =	swait.ge [sflag:s14], $0x2000  }
0x19: {  	[sflag:s14] =	ssyncset.done $0x0  }
0x1a: {  	s31 =	simm.s32 $0x0;
	[sflag:s14] =	ssyncadd.s32 $0xFFFFE000  }
0x1b: {  	[tilespmem:s15], [sflag:$0x1] =	stream.linear.gather [hbm4b:s5+s31], $0x10, $0x38;
	[tilespmem:$0xA300] =	vst v63  }
0x1c: {  	_ =	swait.ge [sflag:s14], $0x10  }
0x1d: {  	s21 =	simm.s32 $0x280;
	s22 =	simm.s32 $0x10;
	[sflag:s14] =	ssyncset.done $0x0  }
0x1e: {  	s24 =	sadd.s32 $0x0, s6;
	s23 =	simm.s32 $0x480;
	[sflag:s14] =	ssyncadd.s32 $0xFFFFFFF0  }
.LBB2_4:
0x1f: {  	[tilespmem:s21], [sflag:$0x1] =	stream.linear.gather [hbm4b:s24+s2], $0x80, $0x38;
	[tilespmem:$0xA300] =	vst v63  }
0x20: {  	s24 =	smov.u32 s22;
	s21 =	smov.u32 s23;
	p0 =	sne.s32 s22, $0x3F0  }
.Ltmp1:
0x21: {  	s22 =	sadd.s32 $0x10, s22;
	(pc) =	sbr.rel @p0 .LBB2_4-.Ltmp1, $2  }
0x22: {  	_ =	sdelay $0x2  }
0x23: {  	s23 =	sadd.s32 $0x200, s23;
	s24 =	sadd.s32 s24, s6  }
0x24: {  	[tilespmem:s21], [sflag:$0x1] =	stream.linear.gather [hbm4b:s24+s2], $0x80, $0x38;
	[tilespmem:$0xA300] =	vst v63  }
0x25: {  	_ =	swait.ge [sflag:s14], $0x2000  }
0x26: {  	[sflag:s14] =	ssyncset.done $0x0  }
0x27: {  	s31 =	simm.s32 $0x0;
	[sflag:s14] =	ssyncadd.s32 $0xFFFFE000  }
0x28: {  	[tilespmem:s16], [sflag:$0x1] =	stream.linear.gather [hbm4b:s7+s31], $0x10, $0x38;
	[tilespmem:$0xA300] =	vst v63  }
0x29: {  	_ =	swait.ge [sflag:s14], $0x10  }
0x2a: {  	s21 =	simm.s32 $0x300;
	s22 =	simm.s32 $0x10;
	[sflag:s14] =	ssyncset.done $0x0  }
0x2b: {  	s24 =	sadd.s32 $0x0, s8;
	s23 =	simm.s32 $0x500;
	[sflag:s14] =	ssyncadd.s32 $0xFFFFFFF0  }
.LBB2_6:
0x2c: {  	[tilespmem:s21], [sflag:$0x1] =	stream.linear.gather [hbm4b:s24+s2], $0x80, $0x38;
	[tilespmem:$0xA300] =	vst v63  }
0x2d: {  	s24 =	smov.u32 s22;
	s21 =	smov.u32 s23;
	p0 =	sne.s32 s22, $0x3F0  }
.Ltmp2:
0x2e: {  	s22 =	sadd.s32 $0x10, s22;
	(pc) =	sbr.rel @p0 .LBB2_6-.Ltmp2, $2  }
0x2f: {  	_ =	sdelay $0x2  }
0x30: {  	s23 =	sadd.s32 $0x200, s23;
	s24 =	sadd.s32 s24, s8  }
0x31: {  	[tilespmem:s21], [sflag:$0x1] =	stream.linear.gather [hbm4b:s24+s2], $0x80, $0x38;
	[tilespmem:$0xA300] =	vst v63  }
0x32: {  	_ =	swait.ge [sflag:s14], $0x2000  }
0x33: {  	[sflag:s14] =	ssyncset.done $0x0  }
0x34: {  	s31 =	simm.s32 $0x0;
	[sflag:s14] =	ssyncadd.s32 $0xFFFFE000  }
0x35: {  	[tilespmem:s17], [sflag:$0x1] =	stream.linear.gather [hbm4b:s9+s31], $0x10, $0x38;
	[tilespmem:$0xA300] =	vst v63  }
0x36: {  	_ =	swait.ge [sflag:s14], $0x10  }
0x37: {  	s21 =	simm.s32 $0x380;
	s22 =	simm.s32 $0x10;
	[sflag:s14] =	ssyncset.done $0x0  }
0x38: {  	s24 =	sadd.s32 $0x0, s10;
	s23 =	simm.s32 $0x580;
	[sflag:s14] =	ssyncadd.s32 $0xFFFFFFF0  }
.LBB2_8:
0x39: {  	[tilespmem:s21], [sflag:$0x1] =	stream.linear.gather [hbm4b:s24+s2], $0x80, $0x38;
	[tilespmem:$0xA300] =	vst v63  }
0x3a: {  	s24 =	smov.u32 s22;
	s21 =	smov.u32 s23;
	p0 =	sne.s32 s22, $0x3F0  }
.Ltmp3:
0x3b: {  	s22 =	sadd.s32 $0x10, s22;
	(pc) =	sbr.rel @p0 .LBB2_8-.Ltmp3, $2  }
0x3c: {  	_ =	sdelay $0x2  }
0x3d: {  	s23 =	sadd.s32 $0x200, s23;
	s24 =	sadd.s32 s24, s10  }
0x3e: {  	[tilespmem:s21], [sflag:$0x1] =	stream.linear.gather [hbm4b:s24+s2], $0x80, $0x38;
	[tilespmem:$0xA300] =	vst v63  }
0x3f: {  	_ =	swait.ge [sflag:s14], $0x2000  }
0x40: {  	[sflag:s14] =	ssyncset.done $0x0  }
0x41: {  	s21 =	simm.s32 $0x0;
	s22 =	simm.s32 $0x0;
	[sflag:s14] =	ssyncadd.s32 $0xFFFFE000  }
.LBB2_10:
0x42: {  	p0 =	sne.s32 s22, $0x7FC0  }
.Ltmp4:
0x43: {  	_ = 	snop;
	(pc) =	sbr.rel @p0 .LBB2_10-.Ltmp4, $3  }
0x44: {  	_ =	sdelay $0x1  }
0x45: {  	s23 =	sshra.s32 s22, $0x2  }
0x46: {  	s22 =	sadd.s32 $0x40, s22;
	[tilespmem:s23+$0x8200] =	vst v0  }
0x47: {  	p1 =	por $0x1, $0x1  }
.LBB2_12:
0x48: {  	v15 =	vld [tilespmem:$0x0]  }
0x49: {  	v23 =	vld [tilespmem:$0x80]  }
0x4a: {  	v33 =	vld [tilespmem:$0x100]  }
0x4b: {  	v34 =	vld [tilespmem:$0x180]  }
0x4c: {  	s25 =	sshll.u32 s21, $0x3  }
0x4d: {  	v1 =	vmov s25  }
0x4e: {  	s22 =	sor.u32 $0x1, s25;
	v6 =	vperm.xlane v15, v1  }
0x4f: {  	v2 =	vmov s22;
	v7 =	vperm.xlane v23, v1;
	v9 =	vperm.xlane v33, v1  }
0x50: {  	s24 =	sor.u32 $0x2, s25;
	v1 =	vperm.xlane v34, v1;
	v11 =	vperm.xlane v15, v2  }
0x51: {  	v3 =	vmov s24;
	v13 =	vperm.xlane v23, v2;
	v14 =	vperm.xlane v33, v2  }
0x52: {  	s26 =	sor.u32 $0x3, s25;
	v2 =	vperm.xlane v34, v2;
	v16 =	vperm.xlane v15, v3  }
0x53: {  	v4 =	vmov s26;
	v17 =	vperm.xlane v23, v3;
	v18 =	vperm.xlane v33, v3  }
0x54: {  	s28 =	sor.u32 $0x4, s25;
	v3 =	vperm.xlane v34, v3;
	v19 =	vperm.xlane v15, v4  }
0x55: {  	v5 =	vmov s28;
	s22 =	simm.s32 $0x0;
	v20 =	vperm.xlane v23, v4;
	v10 =	vperm.xlane v33, v4  }
0x56: {  	s23 =	sor.u32 $0x5, s25;
	s26 =	sand.u32 $0x7E00, s22;
	v4 =	vperm.xlane v34, v4;
	v22 =	vperm.xlane v15, v5  }
0x57: {  	v8 =	vmov s23;
	s24 =	sand.u32 $0x60, s22;
	s29 =	sadd.s32 $0x200, s26;
	v25 =	vperm.xlane v23, v5;
	v26 =	vperm.xlane v33, v5  }
0x58: {  	s25 =	sor.u32 $0x6, s25;
	v5 =	vperm.xlane v34, v5;
	v27 =	vperm.xlane v15, v8;
	s26 =	sor.u32 s24, s29  }
0x59: {  	v12 =	vmov s25;
	v28 =	vperm.xlane v23, v8;
	v24 =	vperm.xlane v33, v8;
	v35 =	vld [tilespmem:s26+$0x0]  }
0x5a: {  	s30 =	sshllo.u32 s21, $0x3;
	v8 =	vperm.xlane v34, v8;
	v30 =	vperm.xlane v15, v12;
	v36 =	vld [tilespmem:s26+$0x80]  }
0x5b: {  	v37 =	vmov s30;
	v29 =	vperm.xlane v23, v12;
	v21 =	vperm.xlane v33, v12  }
0x5c: {  	v12 =	vperm.xlane v34, v12;
	v31 =	vperm.xlane v15, v37;
	v38 =	vld [tilespmem:s26+$0x100]  }
0x5d: {  	v32 =	vperm.xlane v23, v37;
	v23 =	vperm.xlane v33, v37  }
0x5e: {  	v15 =	vperm.xlane v34, v37;
	v59 =	vmul.f32 v35, v6  }
0x5f: {  	v34 =	vmul.f32 v35, v31;
	v60 =	vmul.f32 v36, v7  }
0x60: {  	v39 =	vmul.f32 v35, v27;
	v41 =	vmul.f32 v36, v17  }
0x61: {  	v42 =	vmul.f32 v35, v22;
	v61 =	vmul.f32 v38, v9  }
0x62: {  	v43 =	vmul.f32 v35, v19;
	v44 =	vmul.f32 v36, v20  }
0x63: {  	v45 =	vmul.f32 v36, v25;
	v62 =	vmul.f32 v38, v10  }
0x64: {  	v46 =	vmul.f32 v35, v11;
	v63 =	vmul.f32 v36, v13  }
0x65: {  	v47 =	vmul.f32 v38, v14;
	v48 =	vmul.f32 v35, v16  }
0x66: {  	v53 =	vmul.f32 v36, v28;
	v55 =	vmul.f32 v36, v29  }
0x67: {  	v36 =	vmul.f32 v36, v32;
	v33 =	vadd.f32 v60, v59;
	v43 =	vadd.f32 v44, v43  }
0x68: {  	v35 =	vmul.f32 v35, v30;
	v52 =	vadd.f32 v63, v46;
	v41 =	vadd.f32 v41, v48  }
0x69: {  	v40 =	vld [tilespmem:s26+$0x180];
	v49 =	vmul.f32 v38, v18;
	v42 =	vadd.f32 v45, v42;
	v60 =	vadd.f32 v53, v39  }
0x6a: {  	v57 =	vmul.f32 v38, v26;
	v34 =	vadd.f32 v36, v34;
	v35 =	vadd.f32 v55, v35  }
0x6b: {  	v51 =	vmul.f32 v38, v21;
	v33 =	vadd.f32 v61, v33;
	v37 =	vadd.f32 v62, v43  }
0x6c: {  	s31 =	simm.s32 $0x0;
	v56 =	vadd.f32 v47, v52;
	v41 =	vadd.f32 v49, v41  }
0x6d: {  	v58 =	vld [tilespmem:s31+$0x8200];
	v42 =	vadd.f32 v57, v42;
	v35 =	vadd.f32 v51, v35  }
0x6e: {  	v62 =	vmul.f32 v38, v24;
	v33 =	vadd.f32 v33, v40;
	v50 =	vadd.f32 v37, v40  }
0x6f: {  	v49 =	vadd.f32 v56, v40;
	v61 =	vadd.f32 v41, v40  }
0x70: {  	v38 =	vmul.f32 v38, v23;
	v37 =	vadd.f32 v62, v60;
	v54 =	vadd.f32 v33, v1  }
0x71: {  	v36 =	vadd.f32 v42, v40;
	v63 =	vadd.f32 v49, v2  }
0x72: {  	v34 =	vadd.f32 v38, v34;
	v52 =	vadd.f32 v61, v3;
	v53 =	vmin.f32 v58, v54  }
0x73: {  	v59 =	vadd.f32 v50, v4;
	v44 =	vadd.f32 v37, v40;
	v41 =	vmin.f32 v53, v63  }
0x74: {  	v35 =	vadd.f32 v35, v40;
	v55 =	vadd.f32 v36, v5;
	v54 =	vmin.f32 v41, v52  }
0x75: {  	v40 =	vadd.f32 v34, v40;
	v56 =	vadd.f32 v44, v8;
	v37 =	vmin.f32 v54, v59  }
0x76: {  	v57 =	vadd.f32 v35, v12;
	v37 =	vmin.f32 v37, v55  }
0x77: {  	v58 =	vadd.f32 v40, v15;
	v37 =	vmin.f32 v37, v56  }
0x78: {  	v34 =	vmin.f32 v37, v57  }
0x79: {  	s26 =	sor.u32 $0x10, s24;
	v34 =	vmin.f32 v34, v58  }
0x7a: {  	s23 =	sor.u32 s26, s29;
	[tilespmem:s31+$0x8200] =	vst v34  }
0x7b: {  	v48 =	vld [tilespmem:s23+$0x0]  }
0x7c: {  	v47 =	vld [tilespmem:s23+$0x80];
	_ =	sdelay $0x1  }
0x7d: {  	v45 =	vld [tilespmem:s23+$0x100];
	_ =	sdelay $0x1  }
0x7e: {  	v34 =	vimm.f32 $+Inf;
	v59 =	vmul.f32 v48, v6;
	v46 =	vmul.f32 v48, v30  }
0x7f: {  	v37 =	vmin.f32 v34, v61;
	v60 =	vmul.f32 v47, v7;
	v51 =	vmul.f32 v48, v31  }
0x80: {  	v39 =	vmin.f32 v34, v49;
	v55 =	vmul.f32 v47, v13;
	v52 =	vmul.f32 v47, v17  }
0x81: {  	v41 =	vmin.f32 v34, v50;
	v61 =	vmul.f32 v45, v9;
	v49 =	vmul.f32 v45, v18  }
0x82: {  	v43 =	vld [tilespmem:s23+$0x180];
	v38 =	vmin.f32 v34, v35;
	v53 =	vmul.f32 v45, v14;
	v54 =	vmul.f32 v47, v32  }
0x83: {  	v63 =	vmul.f32 v48, v19;
	v57 =	vmul.f32 v47, v20;
	v42 =	vadd.f32 v60, v59  }
0x84: {  	v35 =	vimm.f32 $+Inf;
	v56 =	vmul.f32 v47, v25;
	v59 =	vmul.f32 v48, v11  }
0x85: {  	v58 =	vmul.f32 v48, v16;
	v50 =	vadd.f32 v57, v63;
	v62 =	vadd.f32 v61, v42  }
0x86: {  	p0 =	por p1, p1;
	v42 =	vmin.f32 v34, v40;
	v40 =	vmin.f32 v34, v44;
	v57 =	vadd.f32 v55, v59  }
0x87: {  	s25 =	simm.s32 $0x0;
	s24 =	simm.s32 $0x0;
	s23 =	simm.s32 $0x0;
	v59 =	vmul.f32 v48, v22;
	v55 =	vmul.f32 v45, v26;
	v44 =	vadd.f32 v62, v43  }
.LBB2_13:
0x88: {  	s23 =	sadd.s32 $0x2, s23;
	v48 =	vmul.f32 v48, v27;
	v60 =	vmul.f32 v47, v28;
	v51 =	vadd.f32 v54, v51;
	s22 =	sadd.s32 $0x80, s22;
	s25 =	sadd.s32 $0x20, s25  }
0x89: {  	v52 =	vadd.f32 v52, v58;
	v47 =	vmul.f32 v47, v29;
	p1 =	slt.u32 s23, $0x1FE;
	v54 =	vadd.f32 v56, v59  }
0x8a: {  	s28 =	sand.u32 $0x1F80, s24;
	v53 =	vadd.f32 v53, v57;
	v56 =	vmul.f32 v45, v24;
	s24 =	smov.u32 s25;
	v48 =	vadd.f32 v60, v48  }
0x8b: {  	s29 =	sor.u32 s26, s28;
	v46 =	vadd.f32 v47, v46;
	v47 =	vmul.f32 v45, v21;
	v54 =	vadd.f32 v55, v54  }
0x8c: {  	v49 =	vadd.f32 v49, v52;
	v52 =	vmul.f32 v45, v10;
	v55 =	vld [tilespmem:s29+$0x8200];
	v48 =	vadd.f32 v56, v48  }
0x8d: {  	v34 =	vmin.f32 v34, v36;
	v36 =	vadd.f32 v53, v43;
	v53 =	vadd.f32 v54, v43  }
0x8e: {  	v45 =	vmul.f32 v45, v23;
	v50 =	vadd.f32 v52, v50;
	v48 =	vadd.f32 v48, v43  }
0x8f: {  	v52 =	vadd.f32 v44, v1;
	v54 =	vadd.f32 v36, v2;
	v34 =	vmin.f32 v34, v53  }
0x90: {  	v49 =	vadd.f32 v49, v43;
	v50 =	vadd.f32 v50, v43;
	v40 =	vmin.f32 v40, v48  }
0x91: {  	v46 =	vadd.f32 v47, v46;
	v45 =	vadd.f32 v45, v51;
	v52 =	vmin.f32 v55, v52  }
0x92: {  	v47 =	vadd.f32 v49, v3;
	v41 =	vmin.f32 v41, v50;
	v50 =	vadd.f32 v50, v4  }
0x93: {  	v45 =	vadd.f32 v45, v43;
	v51 =	vmin.f32 v52, v54;
	v52 =	vadd.f32 v53, v5  }
0x94: {  	v43 =	vadd.f32 v46, v43;
	v48 =	vadd.f32 v48, v8;
	v47 =	vmin.f32 v51, v47  }
0x95: {  	v39 =	vmin.f32 v39, v36;
	v42 =	vmin.f32 v42, v45;
	v36 =	vmin.f32 v47, v50  }
0x96: {  	v46 =	vadd.f32 v43, v12;
	v45 =	vadd.f32 v45, v15;
	v36 =	vmin.f32 v36, v52  }
0x97: {  	v37 =	vmin.f32 v37, v49;
	v38 =	vmin.f32 v38, v43;
	v36 =	vmin.f32 v36, v48  }
0x98: {  	v33 =	vmin.f32 v35, v33;
	s28 =	sand.u32 $0x7E00, s22;
	v36 =	vmin.f32 v36, v46  }
0x99: {  	s26 =	sand.u32 $0x60, s25;
	v35 =	vmin.f32 v33, v44;
	s28 =	sadd.s32 $0x200, s28;
	v33 =	vmin.f32 v36, v45  }
0x9a: {  	s30 =	sor.u32 s26, s28;
	[tilespmem:s29+$0x8200] =	vst v33  }
0x9b: {  	v36 =	vld [tilespmem:s30+$0x0]  }
0x9c: {  	v43 =	vld [tilespmem:s30+$0x80]  }
0x9d: {  	v44 =	vld [tilespmem:s30+$0x100];
	_ =	sdelay $0x2  }
0x9e: {  	v33 =	vmul.f32 v36, v6;
	v45 =	vmul.f32 v36, v31  }
0x9f: {  	v47 =	vmul.f32 v36, v27;
	v46 =	vmul.f32 v43, v7  }
0xa0: {  	v50 =	vmul.f32 v36, v22;
	v49 =	vmul.f32 v43, v17;
	v48 =	vld [tilespmem:s30+$0x180]  }
0xa1: {  	v51 =	vmul.f32 v43, v25;
	v33 =	vadd.f32 v46, v33;
	v46 =	vmul.f32 v44, v9  }
0xa2: {  	v52 =	vmul.f32 v36, v19;
	v53 =	vmul.f32 v43, v20  }
0xa3: {  	s29 =	sshra.s32 s22, $0x2;
	v54 =	vmul.f32 v44, v10;
	v33 =	vadd.f32 v46, v33;
	v46 =	vmul.f32 v44, v14  }
0xa4: {  	v56 =	vmul.f32 v36, v11;
	v57 =	vmul.f32 v44, v18;
	v52 =	vadd.f32 v53, v52;
	v55 =	vld [tilespmem:s29+$0x8200]  }
0xa5: {  	v58 =	vmul.f32 v43, v28;
	v53 =	vmul.f32 v43, v13;
	v33 =	vadd.f32 v33, v48  }
0xa6: {  	v59 =	vmul.f32 v36, v16;
	v52 =	vadd.f32 v54, v52;
	v54 =	vmul.f32 v43, v29  }
0xa7: {  	v53 =	vadd.f32 v53, v56;
	v56 =	vmul.f32 v44, v26;
	v60 =	vadd.f32 v33, v1  }
0xa8: {  	v49 =	vadd.f32 v49, v59;
	v43 =	vmul.f32 v43, v32;
	v52 =	vadd.f32 v52, v48  }
0xa9: {  	v50 =	vadd.f32 v51, v50;
	v46 =	vadd.f32 v46, v53;
	v55 =	vmin.f32 v55, v60  }
0xaa: {  	v49 =	vadd.f32 v57, v49;
	v53 =	vmul.f32 v44, v24;
	v51 =	vadd.f32 v52, v4  }
0xab: {  	v36 =	vmul.f32 v36, v30;
	v47 =	vadd.f32 v58, v47;
	v46 =	vadd.f32 v46, v48  }
0xac: {  	v49 =	vadd.f32 v49, v48;
	v43 =	vadd.f32 v43, v45  }
0xad: {  	v36 =	vadd.f32 v54, v36;
	v54 =	vmul.f32 v44, v21;
	v45 =	vadd.f32 v46, v2  }
0xae: {  	v44 =	vmul.f32 v44, v23;
	v57 =	vadd.f32 v49, v3;
	v47 =	vadd.f32 v53, v47  }
0xaf: {  	v50 =	vadd.f32 v56, v50;
	v53 =	vadd.f32 v54, v36;
	v45 =	vmin.f32 v55, v45  }
0xb0: {  	v43 =	vadd.f32 v44, v43;
	v55 =	vadd.f32 v47, v48;
	v36 =	vmin.f32 v45, v57  }
0xb1: {  	v44 =	vmin.f32 v36, v51;
	v36 =	vadd.f32 v50, v48;
	v50 =	vadd.f32 v53, v48  }
0xb2: {  	v45 =	vadd.f32 v55, v8;
	v53 =	vadd.f32 v43, v48  }
0xb3: {  	v43 =	vadd.f32 v36, v5;
	v47 =	vadd.f32 v50, v12  }
0xb4: {  	v48 =	vadd.f32 v53, v15  }
0xb5: {  	v43 =	vmin.f32 v44, v43  }
0xb6: {  	v43 =	vmin.f32 v43, v45  }
0xb7: {  	v43 =	vmin.f32 v43, v47  }
0xb8: {  	s26 =	sor.u32 $0x10, s26;
	v43 =	vmin.f32 v43, v48  }
0xb9: {  	s28 =	sor.u32 s26, s28;
	[tilespmem:s29+$0x8200] =	vst v43  }
0xba: {  	v48 =	vld [tilespmem:s28+$0x0]  }
0xbb: {  	v47 =	vld [tilespmem:s28+$0x80]  }
0xbc: {  	v45 =	vld [tilespmem:s28+$0x100];
	_ =	sdelay $0x1  }
0xbd: {  	v37 =	vmin.f32 v37, v49  }
0xbe: {  	v39 =	vmin.f32 v39, v46;
	v44 =	vmul.f32 v48, v6;
	v46 =	vmul.f32 v48, v30  }
0xbf: {  	v41 =	vmin.f32 v41, v52;
	v51 =	vmul.f32 v48, v31;
	v49 =	vmul.f32 v47, v7  }
0xc0: {  	v38 =	vmin.f32 v38, v50;
	v57 =	vmul.f32 v47, v13;
	v52 =	vmul.f32 v47, v17;
	v43 =	vld [tilespmem:s28+$0x180]  }
0xc1: {  	v50 =	vmul.f32 v45, v9;
	v44 =	vadd.f32 v49, v44;
	v49 =	vmul.f32 v45, v18  }
.Ltmp5:
0xc2: {  	v42 =	vmin.f32 v42, v53;
	v54 =	vmul.f32 v47, v32;
	v53 =	vmul.f32 v45, v14;
	(pc) =	sbr.rel @p1 .LBB2_13-.Ltmp5, $4  }
0xc3: {  	v59 =	vmul.f32 v47, v20;
	v44 =	vadd.f32 v50, v44;
	v50 =	vmul.f32 v48, v19  }
0xc4: {  	v40 =	vmin.f32 v40, v55;
	v55 =	vmul.f32 v48, v11;
	v56 =	vmul.f32 v47, v25  }
0xc5: {  	v58 =	vmul.f32 v48, v16;
	v44 =	vadd.f32 v44, v43;
	v50 =	vadd.f32 v59, v50  }
0xc6: {  	v57 =	vadd.f32 v57, v55;
	v55 =	vmul.f32 v45, v26;
	v59 =	vmul.f32 v48, v22  }
0xc7: {  	v6 =	vmul.f32 v48, v27;
	v7 =	vmul.f32 v47, v28;
	v9 =	vadd.f32 v54, v51  }
0xc8: {  	v11 =	vadd.f32 v52, v58;
	v14 =	vmul.f32 v47, v29;
	v1 =	vadd.f32 v44, v1  }
0xc9: {  	s22 =	sand.u32 $0x1F80, s24;
	v10 =	vmul.f32 v45, v10;
	v13 =	vadd.f32 v56, v59;
	v16 =	vadd.f32 v53, v57  }
0xca: {  	v18 =	vmul.f32 v45, v23;
	s22 =	sor.u32 s26, s22;
	v6 =	vadd.f32 v7, v6;
	v14 =	vadd.f32 v14, v46  }
0xcb: {  	v58 =	vmul.f32 v45, v24;
	v17 =	vld [tilespmem:s22+$0x8200];
	v11 =	vadd.f32 v49, v11;
	v10 =	vadd.f32 v10, v50  }
0xcc: {  	v9 =	vadd.f32 v18, v9;
	v13 =	vadd.f32 v55, v13  }
0xcd: {  	v60 =	vmul.f32 v45, v21;
	v59 =	vadd.f32 v16, v43;
	v6 =	vadd.f32 v58, v6  }
0xce: {  	v11 =	vadd.f32 v11, v43;
	v10 =	vadd.f32 v10, v43  }
0xcf: {  	v14 =	vadd.f32 v60, v14;
	v2 =	vadd.f32 v59, v2  }
0xd0: {  	v13 =	vadd.f32 v13, v43;
	v3 =	vadd.f32 v11, v3;
	v1 =	vmin.f32 v17, v1  }
0xd1: {  	v6 =	vadd.f32 v6, v43;
	v4 =	vadd.f32 v10, v4;
	v1 =	vmin.f32 v1, v2  }
0xd2: {  	v2 =	vadd.f32 v13, v5;
	v1 =	vmin.f32 v1, v3;
	v3 =	vadd.f32 v14, v43  }
0xd3: {  	v61 =	vadd.f32 v9, v43;
	v8 =	vadd.f32 v6, v8;
	v1 =	vmin.f32 v1, v4  }
0xd4: {  	v1 =	vmin.f32 v1, v2;
	v2 =	vadd.f32 v3, v12  }
0xd5: {  	v62 =	vadd.f32 v61, v15;
	v1 =	vmin.f32 v1, v8  }
0xd6: {  	v1 =	vmin.f32 v1, v2  }
0xd7: {  	s21 =	sshll.u32 s21, $0x7;
	v2 =	vmin.f32 v35, v33;
	v1 =	vmin.f32 v1, v62  }
0xd8: {  	s21 =	sand.u32 $0x3FFFFF80, s21;
	v2 =	vmin.f32 v2, v44;
	[tilespmem:s22+$0x8200] =	vst v1  }
0xd9: {  	v1 =	vmin.f32 v39, v59;
	[tilespmem:s21+$0xA200] =	vst v2  }
0xda: {  	v63 =	vmin.f32 v41, v10;
	[tilespmem:s21+$0xA210] =	vst v1  }
0xdb: {  	v2 =	vmin.f32 v37, v11;
	v1 =	vmin.f32 v34, v36;
	[tilespmem:s21+$0xA230] =	vst v63  }
.Ltmp6:
0xdc: {  	[tilespmem:s21+$0xA220] =	vst v2;
	v1 =	vmin.f32 v1, v13;
	(pc) =	sbr.rel @p0 .LBB2_12-.Ltmp6, $4  }
0xdd: {  	v2 =	vmin.f32 v40, v6;
	[tilespmem:s21+$0xA240] =	vst v1  }
0xde: {  	v1 =	vmin.f32 v38, v3;
	[tilespmem:s21+$0xA250] =	vst v2  }
0xdf: {  	v2 =	vmin.f32 v42, v61;
	[tilespmem:s21+$0xA260] =	vst v1  }
0xe0: {  	p1 =	por $0x0, $0x0;
	[tilespmem:s21+$0xA270] =	vst v2;
	s21 =	simm.s32 $0x1  }
0xe1: {  	[hbm4b:s11+s2] =	stream.linear.scatter [tilespmem:s18], [sflag:$0x1], $0x100, $0x38;
	[tilespmem:$0xA300] =	vst v63  }
0xe2: {  	s20 =	sadd.s32 $0x1, s20;
	_ =	swait.ge [sflag:s14], $0x100  }
0xe3: {  	p0 =	sne.s32 s20, s13;
	[sflag:s14] =	ssyncset.done $0x0  }
.Ltmp7:
0xe4: {  	[sflag:s14] =	ssyncadd.s32 $0xFFFFFF00;
	(pc) =	sbr.rel @p0 .LBB2_1-.Ltmp7, $4  }
0xe5: {  	[hbm4b:s12+s2] =	stream.linear.scatter [tilespmem:s19], [sflag:$0x1], $0x2000, $0x38;
	[tilespmem:$0xA300] =	vst v63  }
0xe6: {  	_ =	swait.ge [sflag:s14], $0x2000  }
0xe7: {  	[sflag:s14] =	ssyncset.done $0x0  }
0xe8: {  	[sflag:s14] =	ssyncadd.s32 $0xFFFFE000  }
0xe9: {  	_ =	sfence.sel $0x180000  }
0xea: {  	[bflag:$0x0] =	sbarrier.arrive $0xFFFF  }
0xeb: {  	p0 =	sne.s32 s0, $0x0;
	_ =	strace $0x90000047  }
0xec: {  	s0 =	sadd.s32 @!p0 $0x100000, s1;
	[bflag:$0x2] =	sbarrier.arrive $0xFFFF  }
0xed: {  	[sflag:s0] =	ssyncadd.tile.s32 @!p0 $0x1;
	_ =	shalt  }
.Lfunc_end2:
_tile_overlayer_lowered:
.L_overlay_start_2:
0xee: {  	(tag) =	ssettag $0x2  }
0xef: {  	s0 =	rddreg [dreg:$0x0];
	s2 =	stileid.u32  }
0xf0: {  	s1 =	rddreg [dreg:$0x1];
	p0 =	sne.s32 s2, $0x0  }
0xf1: {  	s3 =	rddreg [dreg:$0x2];
	[bflag:$0x3] =	sbarrier.arrive $0xFFFF;
	s2 =	simm.s32 @!p0 $0x1C01  }
0xf2: {  	[timem:s3], [sflag:s2] =	dma.local @!p0 [hbm:s0], s1  }
0xf3: {  	s0 =	simm.s32 @!p0 $0x1  }
0xf4: {  	_ =	swait.ge @!p0 [sflag:s0], s1  }
0xf5: {  	s1 =	ssub.s32 @!p0 $0x0, s1;
	[sflag:s0] =	ssyncset.done @!p0 $0x0  }
0xf6: {  	[sflag:s0] =	ssyncadd.s32 @!p0 s1  }
0xf7: {  	[bflag:$0x3] =	sbarrier.arrive $0xFFFF  }
0xf8: {  	_ =	shalt  }

</sc_bundles>
